<compile_context>
chip_gen: v7x
topology: tpu7x:2x2x1
jax: 0.10.2.dev20260603
libtpu: 0.0.44.dev20260713+nightly
codegen_flags: <defaults>
</compile_context>

<pallas_src>
import functools

import jax
import jax.numpy as jnp
from jax import lax
from jax.experimental import pallas as pl
from jax.experimental.pallas import tpu as pltpu
from jax.experimental.pallas import tpu_sc as plsc

_M = 512
_NC = 2
_NS = 16
_NW = _NC * _NS


def _gate_body(x_ref, w_ref, b_ref, wout_ref, da_ref, db_ref, be_ref, nb_ref):
    e = w_ref.shape[0]
    n = x_ref.shape[0]
    g = be_ref.shape[0]
    m = float(_M)
    lg = _M.bit_length() - 1
    xx = x_ref[...]
    logits = lax.dot_general(xx, w_ref[...], (((1,), (1,)), ((), ())),
                             preferred_element_type=jnp.float32)
    logits = logits + b_ref[...]
    mx = jnp.max(logits, axis=-1, keepdims=True)
    pe = jnp.exp(logits - mx)
    probs = pe / jnp.sum(pe, axis=-1, keepdims=True)
    eidx = lax.broadcasted_iota(jnp.int32, probs.shape, 1)
    m1 = jnp.max(probs, axis=-1, keepdims=True)
    i1 = jnp.min(jnp.where(probs == m1, eidx, e), axis=-1, keepdims=True)
    masked = jnp.where(eidx == i1, -jnp.inf, probs)
    m2 = jnp.max(masked, axis=-1, keepdims=True)
    i2 = jnp.min(jnp.where(masked == m2, eidx, e), axis=-1, keepdims=True)
    wout_ref[...] = jnp.concatenate([m1, m2], axis=-1)

    oa = (eidx == i1).astype(jnp.float32)
    ob = (eidx == i2).astype(jnp.float32)
    s = oa + ob
    c = s
    k = 1
    while k < n:
        c = c + jnp.concatenate(
            [jnp.zeros((k, e), jnp.float32), c[:n - k, :]], axis=0)
        k *= 2
    excl = c - s
    counts_i = c[n - 1:n, :].astype(jnp.int32)
    padded_i = ((counts_i + (_M - 1)) >> lg) << lg
    padded = padded_i.astype(jnp.float32)
    pc = padded
    k = 1
    while k < e:
        pc = pc + jnp.concatenate(
            [jnp.zeros((1, k), jnp.float32), pc[:, :e - k]], axis=1)
        k *= 2
    pad_off = pc - padded
    total = pc[:, e - 1:e]
    base = excl + pad_off
    da_ref[...] = jnp.sum(oa * base, axis=-1, keepdims=True).astype(jnp.int32)
    db_ref[...] = jnp.sum(ob * base, axis=-1, keepdims=True).astype(jnp.int32)
    ends = pad_off + padded
    bstart = lax.broadcasted_iota(jnp.int32, (g, 1), 0).astype(jnp.float32) * m
    blk = jnp.sum((bstart >= ends).astype(jnp.float32), axis=-1, keepdims=True)
    eflt = lax.broadcasted_iota(jnp.int32, (1, e), 1).astype(jnp.float32)
    last_e = jnp.max(jnp.where(padded > 0, eflt, 0.0), axis=-1, keepdims=True)
    blk = jnp.where(bstart < total, blk, last_e)
    be_ref[...] = blk.astype(jnp.int32)
    nb_ref[...] = (total.astype(jnp.int32)) >> lg


def _gate(xf, gate_w, gate_b, g):
    n, d = xf.shape
    e = gate_w.shape[0]
    return pl.pallas_call(
        _gate_body,
        out_shape=[jax.ShapeDtypeStruct((n, 2), jnp.float32),
                   jax.ShapeDtypeStruct((n, 1), jnp.int32),
                   jax.ShapeDtypeStruct((n, 1), jnp.int32),
                   jax.ShapeDtypeStruct((g, 1), jnp.int32),
                   jax.ShapeDtypeStruct((1, 1), jnp.int32)],
    )(xf, gate_w, gate_b.reshape(1, e))


def _gmm_body(be_ref, nb_ref, xg_ref, w1_ref, b1_ref, w2_ref, b2_ref, y_ref,
              w1b_ref, w2b_ref):
    i = pl.program_id(0)
    fresh = jnp.logical_or(i == 0, be_ref[i] != be_ref[jnp.maximum(i - 1, 0)])

    @pl.when(jnp.logical_and(i < nb_ref[0], fresh))
    def _():
        w1b_ref[...] = w1_ref[0].astype(jnp.bfloat16)
        w2b_ref[...] = w2_ref[0].astype(jnp.bfloat16)

    @pl.when(i < nb_ref[0])
    def _():
        xb = xg_ref[...].astype(jnp.bfloat16)
        h = lax.dot_general(xb, w1b_ref[...], (((1,), (1,)), ((), ())),
                            preferred_element_type=jnp.float32)
        h = jnp.maximum(h + b1_ref[0], 0.0).astype(jnp.bfloat16)
        y = lax.dot_general(h, w2b_ref[...], (((1,), (1,)), ((), ())),
                            preferred_element_type=jnp.float32)
        y_ref[...] = y + b2_ref[0]


def _gmm(blk_e, nblk, xg, W1, b1, W2, b2, g, p):
    e, h, d = W1.shape
    o = W2.shape[1]
    grid_spec = pltpu.PrefetchScalarGridSpec(
        num_scalar_prefetch=2,
        grid=(g,),
        in_specs=[
            pl.BlockSpec((_M, d), lambda i, be, nb: (i, 0)),
            pl.BlockSpec((1, h, d), lambda i, be, nb: (be[i], 0, 0)),
            pl.BlockSpec((1, 1, h), lambda i, be, nb: (be[i], 0, 0)),
            pl.BlockSpec((1, o, h), lambda i, be, nb: (be[i], 0, 0)),
            pl.BlockSpec((1, 1, o), lambda i, be, nb: (be[i], 0, 0)),
        ],
        out_specs=pl.BlockSpec((_M, o), lambda i, be, nb: (i, 0)),
        scratch_shapes=[pltpu.VMEM((h, d), jnp.bfloat16),
                        pltpu.VMEM((o, h), jnp.bfloat16)],
    )
    return pl.pallas_call(
        _gmm_body,
        grid_spec=grid_spec,
        out_shape=jax.ShapeDtypeStruct((p, o), jnp.float32),
        compiler_params=pltpu.CompilerParams(
            dimension_semantics=("arbitrary",),
            vmem_limit_bytes=100 * 1024 * 1024),
    )(blk_e, nblk, xg, W1, b1.reshape(e, 1, h), W2, b2.reshape(e, 1, o))


def _sc_dispatch(xf, dst_a3, dst_b3, p, d):
    n = xf.shape[0]
    tw = n // _NW
    mesh = plsc.VectorSubcoreMesh(core_axis_name="c", subcore_axis_name="s",
                                  num_cores=_NC, num_subcores=_NS)

    @functools.partial(
        pl.kernel,
        out_type=jax.ShapeDtypeStruct((p, d), jnp.float32),
        mesh=mesh,
        scratch_types=[pltpu.VMEM((1, tw), jnp.int32),
                       pltpu.VMEM((1, tw), jnp.int32),
                       pltpu.VMEM((tw, d), jnp.float32),
                       pltpu.SemaphoreType.DMA,
                       pltpu.SemaphoreType.DMA,
                       pltpu.SemaphoreType.DMA],
    )
    def disp_k(x_hbm, da_hbm, db_hbm, xg_hbm, ia_v, ib_v, v, sr, sa, sb):
        c = lax.axis_index("c")
        s = lax.axis_index("s")
        wid = c * _NS + s
        base = wid * tw
        cp = pltpu.async_copy(x_hbm.at[pl.ds(base, tw)], v, sr)
        pltpu.sync_copy(da_hbm.at[wid], ia_v)
        pltpu.sync_copy(db_hbm.at[wid], ib_v)
        cp.wait()
        ca = pltpu.async_copy(v, xg_hbm.at[ia_v.at[0]], sa)
        cb = pltpu.async_copy(v, xg_hbm.at[ib_v.at[0]], sb)
        ca.wait()
        cb.wait()

    return disp_k(xf, dst_a3, dst_b3)


def _sc_pairgather(y, dst_a3, dst_b3, n, o):
    tw = n // _NW
    half = tw // 2
    mesh = plsc.VectorSubcoreMesh(core_axis_name="c", subcore_axis_name="s",
                                  num_cores=_NC, num_subcores=_NS)

    @functools.partial(
        pl.kernel,
        out_type=[jax.ShapeDtypeStruct((n, o), jnp.float32),
                  jax.ShapeDtypeStruct((n, o), jnp.float32)],
        mesh=mesh,
        scratch_types=[pltpu.VMEM((1, tw), jnp.int32),
                       pltpu.VMEM((1, tw), jnp.int32),
                       pltpu.VMEM((half, o), jnp.float32),
                       pltpu.VMEM((half, o), jnp.float32),
                       pltpu.SemaphoreType.DMA,
                       pltpu.SemaphoreType.DMA,
                       pltpu.SemaphoreType.DMA,
                       pltpu.SemaphoreType.DMA],
    )
    def pg_k(y_hbm, da_hbm, db_hbm, ya_hbm, yb_hbm,
             ia_v, ib_v, va, vb, sa, sb, swa, swb):
        c = lax.axis_index("c")
        s = lax.axis_index("s")
        wid = c * _NS + s
        base = wid * tw
        pltpu.sync_copy(da_hbm.at[wid], ia_v)
        pltpu.sync_copy(db_hbm.at[wid], ib_v)
        ca = pltpu.async_copy(y_hbm.at[ia_v.at[0, pl.ds(0, half)]], va, sa)
        cb = pltpu.async_copy(y_hbm.at[ib_v.at[0, pl.ds(0, half)]], vb, sb)
        ca.wait()
        wa = pltpu.async_copy(va, ya_hbm.at[pl.ds(base, half)], swa)
        cb.wait()
        wb = pltpu.async_copy(vb, yb_hbm.at[pl.ds(base, half)], swb)
        wa.wait()
        ca2 = pltpu.async_copy(y_hbm.at[ia_v.at[0, pl.ds(half, half)]], va, sa)
        wb.wait()
        cb2 = pltpu.async_copy(y_hbm.at[ib_v.at[0, pl.ds(half, half)]], vb, sb)
        ca2.wait()
        wa2 = pltpu.async_copy(va, ya_hbm.at[pl.ds(base + half, half)], swa)
        cb2.wait()
        wb2 = pltpu.async_copy(vb, yb_hbm.at[pl.ds(base + half, half)], swb)
        wa2.wait()
        wb2.wait()

    return pg_k(y, dst_a3, dst_b3)


def _combine_body(ya_ref, yb_ref, wa_ref, wb_ref, o_ref):
    o_ref[...] = wa_ref[...] * ya_ref[...] + wb_ref[...] * yb_ref[...]


def _combine(ya, yb, wa, wb, n, o):
    blk = 256
    return pl.pallas_call(
        _combine_body,
        grid=(n // blk,),
        in_specs=[pl.BlockSpec((blk, o), lambda i: (i, 0)),
                  pl.BlockSpec((blk, o), lambda i: (i, 0)),
                  pl.BlockSpec((blk, 1), lambda i: (i, 0)),
                  pl.BlockSpec((blk, 1), lambda i: (i, 0))],
        out_specs=pl.BlockSpec((blk, o), lambda i: (i, 0)),
        out_shape=jax.ShapeDtypeStruct((n, o), jnp.float32),
    )(ya, yb, wa, wb)


def kernel(x, gate_w, gate_b, W1, b1, W2, b2):
    bsz, seq, d = x.shape
    n = bsz * seq
    e, h, _ = W1.shape
    o = W2.shape[1]
    g = 2 * n // _M + e
    p = g * _M
    xf = x.reshape(n, d)

    w01, da, db, be2, nb2 = _gate(xf, gate_w, gate_b, g)
    dst_a3 = da.reshape(_NW, 1, n // _NW)
    dst_b3 = db.reshape(_NW, 1, n // _NW)
    blk_e = be2.reshape(g)
    nblk = nb2.reshape(1)
    xg = _sc_dispatch(xf, dst_a3, dst_b3, p, d)
    y = _gmm(blk_e, nblk, xg, W1, b1, W2, b2, g, p)
    ya, yb = _sc_pairgather(y, dst_a3, dst_b3, n, o)
    out = _combine(ya, yb, w01[:, 0:1], w01[:, 1:2], n, o)
    return out.reshape(bsz, seq, o)

# --- scband reference (transcript-rebuilt; emitter-appended) ---
"""Pipeline reference for scband-mo-e-48825188221350 (READ-ONLY COPY).

The authoritative reference and input builder live on the scoring server;
editing this copy changes nothing except your own understanding.
"""

import jax, jax.numpy as jnp
import numpy as np

E = 8
TOPK = 2
D = 1024
H = 2048
O = 1024
ROUTE_SCALE = 1.0


def setup_inputs(seed: int = 0) -> dict:
    key = jax.random.key(seed)
    ks = jax.random.split(key, 7)
    x = jax.random.normal(ks[0], (1, 2048, D), dtype=jnp.float32)
    # Gate params (xavier-ish init)
    gate_w = jax.random.normal(ks[1], (E, D), dtype=jnp.float32) * float(np.sqrt(2.0 / (E + D)))
    gate_b = jnp.zeros((E,), dtype=jnp.float32)
    # Expert params stacked over expert dim. Linear weights stored as (out, in) like torch.
    W1 = jax.random.normal(ks[2], (E, H, D), dtype=jnp.float32) * float(np.sqrt(1.0 / D))
    b1 = jax.random.normal(ks[3], (E, H), dtype=jnp.float32) * 0.01
    W2 = jax.random.normal(ks[4], (E, O, H), dtype=jnp.float32) * float(np.sqrt(1.0 / H))
    b2 = jax.random.normal(ks[5], (E, O), dtype=jnp.float32) * 0.01
    return {"x": x, "gate_w": gate_w, "gate_b": gate_b, "W1": W1, "b1": b1, "W2": W2, "b2": b2}


def reference(x, gate_w, gate_b, W1, b1, W2, b2):
    B, L, Din = x.shape
    N = B * L
    x_flat = x.reshape(N, Din)
    # Gate: logits = x @ W_g^T + b_g ; softmax over experts scaled by route_scale
    logits = x_flat @ gate_w.T + gate_b
    probs = jax.nn.softmax(logits * ROUTE_SCALE, axis=-1)
    topk_vals, topk_idx = jax.lax.top_k(probs, TOPK)
    # Dense gating tensor: weight topk_vals at selected experts, 0 elsewhere
    rows = jnp.arange(N)[:, None]
    dense_gate = jnp.zeros((N, E), dtype=probs.dtype).at[rows, topk_idx].set(topk_vals)
    # Expert MLPs applied per-expert; masked/weighted combine is mathematically
    # identical to the torch gather + index_add_ dispatch (non-selected weights are 0).
    h = jnp.maximum(jnp.einsum('nd,ehd->neh', x_flat, W1) + b1[None, :, :], 0.0)
    out_e = jnp.einsum('neh,eoh->neo', h, W2) + b2[None, :, :]
    out_flat = jnp.sum(dense_gate[:, :, None] * out_e, axis=1)
    return out_flat.reshape(B, L, O)

if __name__ == "__main__":
    import jax
    _d = setup_inputs()
    print(jax.jit(kernel)(*tuple(_d.values())))

</pallas_src>

<mosaic_0001>
#map = affine_map<(d0, d1) -> (0, 0)>
#map1 = affine_map<(d0, d1) -> (0, 0, 0)>
module attributes {stable_mosaic.version = 14 : i64} {
  func.func @pg_k(%arg0: i32, %arg1: i32, %arg2: memref<8192x1024xf32, #tpu.memory_space<hbm>>, %arg3: memref<32x1x64xi32, #tpu.memory_space<hbm>>, %arg4: memref<32x1x64xi32, #tpu.memory_space<hbm>>, %arg5: memref<2048x1024xf32, #tpu.memory_space<hbm>>, %arg6: memref<2048x1024xf32, #tpu.memory_space<hbm>>, %arg7: memref<1x64xi32, #tpu.memory_space<vmem>>, %arg8: memref<1x64xi32, #tpu.memory_space<vmem>>, %arg9: memref<32x1024xf32, #tpu.memory_space<vmem>>, %arg10: memref<32x1024xf32, #tpu.memory_space<vmem>>, %arg11: memref<!tpu.dma_semaphore, #tpu.memory_space<semaphore_mem>>, %arg12: memref<!tpu.dma_semaphore, #tpu.memory_space<semaphore_mem>>, %arg13: memref<!tpu.dma_semaphore, #tpu.memory_space<semaphore_mem>>, %arg14: memref<!tpu.dma_semaphore, #tpu.memory_space<semaphore_mem>>) attributes {dimension_semantics = [#tpu.dimension_semantics<core_parallel>, #tpu.dimension_semantics<subcore_parallel>], iteration_bounds = array<i64: 2, 16>, scalar_prefetch = 0 : i64, scratch_operands = 8 : i64, tpu.core_type = #tpu.core_type<sc_vector_subcore>, window_params = [{transform_indices = #map}, {transform_indices = #map1}, {transform_indices = #map1}, {transform_indices = #map}, {transform_indices = #map}]} {
    %mul3A = arith.constant 16 : i32
    %mul3A_0 = arith.muli %arg0, %mul3A : i32
    %add3A = arith.addi %mul3A_0, %arg1 : i32
    %mul3A_1 = arith.constant 64 : i32
    %mul3A_2 = arith.muli %add3A, %mul3A_1 : i32
    "tpu.region"() ({
      %run_scoped3A = tpu.sem_alloc : memref<!tpu.dma_semaphore, #tpu.memory_space<semaphore_mem>>
      %dma_start3A_93 = arith.constant 0 : i32
      %dma_start3A_94 = arith.constant 0 : i32
      %dma_start3A_95 = tpu.memref_slice %arg3[%add3A, %dma_start3A_93, %dma_start3A_94] : memref<32x1x64xi32, #tpu.memory_space<hbm>> -> memref<1x1x64xi32, #tpu.memory_space<hbm>>
      %dma_start3A_96 = tpu.memref_squeeze %dma_start3A_95 : memref<1x1x64xi32, #tpu.memory_space<hbm>> -> memref<1x64xi32, #tpu.memory_space<hbm>>
      %dma_start3A_97 = arith.constant 0 : i32
      %dma_start3A_98 = arith.constant 0 : i32
      %dma_start3A_99 = tpu.memref_slice %arg3[%add3A, %dma_start3A_97, %dma_start3A_98] : memref<32x1x64xi32, #tpu.memory_space<hbm>> -> memref<1x1x64xi32, #tpu.memory_space<hbm>>
      %dma_start3A_100 = tpu.memref_squeeze %dma_start3A_99 : memref<1x1x64xi32, #tpu.memory_space<hbm>> -> memref<1x64xi32, #tpu.memory_space<hbm>>
      tpu.enqueue_dma source(%dma_start3A_100 : memref<1x64xi32, #tpu.memory_space<hbm>>) target(%arg7 : memref<1x64xi32, #tpu.memory_space<vmem>>) target_semaphore(%run_scoped3A : memref<!tpu.dma_semaphore, #tpu.memory_space<semaphore_mem>>)
      %dma_wait3A_101 = arith.constant 0 : i32
      %dma_wait3A_102 = arith.constant 0 : i32
      %dma_wait3A_103 = tpu.memref_slice %arg3[%add3A, %dma_wait3A_101, %dma_wait3A_102] : memref<32x1x64xi32, #tpu.memory_space<hbm>> -> memref<1x1x64xi32, #tpu.memory_space<hbm>>
      %dma_wait3A_104 = tpu.memref_squeeze %dma_wait3A_103 : memref<1x1x64xi32, #tpu.memory_space<hbm>> -> memref<1x64xi32, #tpu.memory_space<hbm>>
      %dma_wait3A_105 = arith.constant 0 : i32
      %dma_wait3A_106 = arith.constant 0 : i32
      %dma_wait3A_107 = tpu.memref_slice %arg3[%add3A, %dma_wait3A_105, %dma_wait3A_106] : memref<32x1x64xi32, #tpu.memory_space<hbm>> -> memref<1x1x64xi32, #tpu.memory_space<hbm>>
      %dma_wait3A_108 = tpu.memref_squeeze %dma_wait3A_107 : memref<1x1x64xi32, #tpu.memory_space<hbm>> -> memref<1x64xi32, #tpu.memory_space<hbm>>
      tpu.wait_dma2 semaphore(%run_scoped3A : memref<!tpu.dma_semaphore, #tpu.memory_space<semaphore_mem>>) src(%dma_wait3A_108 : memref<1x64xi32, #tpu.memory_space<hbm>>) dst(%arg7 : memref<1x64xi32, #tpu.memory_space<vmem>>)
      tpu.yield
    }) : () -> ()
    "tpu.region"() ({
      %run_scoped3A = tpu.sem_alloc : memref<!tpu.dma_semaphore, #tpu.memory_space<semaphore_mem>>
      %dma_start3A_93 = arith.constant 0 : i32
      %dma_start3A_94 = arith.constant 0 : i32
      %dma_start3A_95 = tpu.memref_slice %arg4[%add3A, %dma_start3A_93, %dma_start3A_94] : memref<32x1x64xi32, #tpu.memory_space<hbm>> -> memref<1x1x64xi32, #tpu.memory_space<hbm>>
      %dma_start3A_96 = tpu.memref_squeeze %dma_start3A_95 : memref<1x1x64xi32, #tpu.memory_space<hbm>> -> memref<1x64xi32, #tpu.memory_space<hbm>>
      %dma_start3A_97 = arith.constant 0 : i32
      %dma_start3A_98 = arith.constant 0 : i32
      %dma_start3A_99 = tpu.memref_slice %arg4[%add3A, %dma_start3A_97, %dma_start3A_98] : memref<32x1x64xi32, #tpu.memory_space<hbm>> -> memref<1x1x64xi32, #tpu.memory_space<hbm>>
      %dma_start3A_100 = tpu.memref_squeeze %dma_start3A_99 : memref<1x1x64xi32, #tpu.memory_space<hbm>> -> memref<1x64xi32, #tpu.memory_space<hbm>>
      tpu.enqueue_dma source(%dma_start3A_100 : memref<1x64xi32, #tpu.memory_space<hbm>>) target(%arg8 : memref<1x64xi32, #tpu.memory_space<vmem>>) target_semaphore(%run_scoped3A : memref<!tpu.dma_semaphore, #tpu.memory_space<semaphore_mem>>)
      %dma_wait3A_101 = arith.constant 0 : i32
      %dma_wait3A_102 = arith.constant 0 : i32
      %dma_wait3A_103 = tpu.memref_slice %arg4[%add3A, %dma_wait3A_101, %dma_wait3A_102] : memref<32x1x64xi32, #tpu.memory_space<hbm>> -> memref<1x1x64xi32, #tpu.memory_space<hbm>>
      %dma_wait3A_104 = tpu.memref_squeeze %dma_wait3A_103 : memref<1x1x64xi32, #tpu.memory_space<hbm>> -> memref<1x64xi32, #tpu.memory_space<hbm>>
      %dma_wait3A_105 = arith.constant 0 : i32
      %dma_wait3A_106 = arith.constant 0 : i32
      %dma_wait3A_107 = tpu.memref_slice %arg4[%add3A, %dma_wait3A_105, %dma_wait3A_106] : memref<32x1x64xi32, #tpu.memory_space<hbm>> -> memref<1x1x64xi32, #tpu.memory_space<hbm>>
      %dma_wait3A_108 = tpu.memref_squeeze %dma_wait3A_107 : memref<1x1x64xi32, #tpu.memory_space<hbm>> -> memref<1x64xi32, #tpu.memory_space<hbm>>
      tpu.wait_dma2 semaphore(%run_scoped3A : memref<!tpu.dma_semaphore, #tpu.memory_space<semaphore_mem>>) src(%dma_wait3A_108 : memref<1x64xi32, #tpu.memory_space<hbm>>) dst(%arg8 : memref<1x64xi32, #tpu.memory_space<vmem>>)
      tpu.yield
    }) : () -> ()
    %dma_start3A = arith.constant 0 : i32
    %dma_start3A_3 = arith.constant 0 : i32
    %dma_start3A_4 = tpu.memref_slice %arg7[%dma_start3A, %dma_start3A_3] : memref<1x64xi32, #tpu.memory_space<vmem>> -> memref<1x32xi32, #tpu.memory_space<vmem>>
    %dma_start3A_5 = tpu.memref_squeeze %dma_start3A_4 : memref<1x32xi32, #tpu.memory_space<vmem>> -> memref<32xi32, #tpu.memory_space<vmem>>
    %dma_start3A_6 = arith.constant 0 : i32
    %dma_start3A_7 = arith.constant 0 : i32
    %dma_start3A_8 = tpu.memref_slice %arg2[%dma_start3A_6, %dma_start3A_7] : memref<8192x1024xf32, #tpu.memory_space<hbm>> -> memref<8192x1024xf32, #tpu.memory_space<hbm>>
    tpu.enqueue_indirect_dma source(%dma_start3A_8 : memref<8192x1024xf32, #tpu.memory_space<hbm>>) target(%arg9 : memref<32x1024xf32, #tpu.memory_space<vmem>>) offsets(%dma_start3A_5 : memref<32xi32, #tpu.memory_space<vmem>>) semaphore(%arg11 : memref<!tpu.dma_semaphore, #tpu.memory_space<semaphore_mem>>)
    %dma_start3A_9 = arith.constant 0 : i32
    %dma_start3A_10 = arith.constant 0 : i32
    %dma_start3A_11 = tpu.memref_slice %arg8[%dma_start3A_9, %dma_start3A_10] : memref<1x64xi32, #tpu.memory_space<vmem>> -> memref<1x32xi32, #tpu.memory_space<vmem>>
    %dma_start3A_12 = tpu.memref_squeeze %dma_start3A_11 : memref<1x32xi32, #tpu.memory_space<vmem>> -> memref<32xi32, #tpu.memory_space<vmem>>
    %dma_start3A_13 = arith.constant 0 : i32
    %dma_start3A_14 = arith.constant 0 : i32
    %dma_start3A_15 = tpu.memref_slice %arg2[%dma_start3A_13, %dma_start3A_14] : memref<8192x1024xf32, #tpu.memory_space<hbm>> -> memref<8192x1024xf32, #tpu.memory_space<hbm>>
    tpu.enqueue_indirect_dma source(%dma_start3A_15 : memref<8192x1024xf32, #tpu.memory_space<hbm>>) target(%arg10 : memref<32x1024xf32, #tpu.memory_space<vmem>>) offsets(%dma_start3A_12 : memref<32xi32, #tpu.memory_space<vmem>>) semaphore(%arg12 : memref<!tpu.dma_semaphore, #tpu.memory_space<semaphore_mem>>)
    %dma_wait3A = arith.constant 0 : i32
    %dma_wait3A_16 = arith.constant 0 : i32
    %dma_wait3A_17 = tpu.memref_slice %arg7[%dma_wait3A, %dma_wait3A_16] : memref<1x64xi32, #tpu.memory_space<vmem>> -> memref<1x32xi32, #tpu.memory_space<vmem>>
    %dma_wait3A_18 = tpu.memref_squeeze %dma_wait3A_17 : memref<1x32xi32, #tpu.memory_space<vmem>> -> memref<32xi32, #tpu.memory_space<vmem>>
    %dma_wait3A_19 = arith.constant 0 : i32
    %dma_wait3A_20 = arith.constant 0 : i32
    %dma_wait3A_21 = tpu.memref_slice %arg2[%dma_wait3A_19, %dma_wait3A_20] : memref<8192x1024xf32, #tpu.memory_space<hbm>> -> memref<8192x1024xf32, #tpu.memory_space<hbm>>
    tpu.wait_indirect_dma semaphore(%arg11 : memref<!tpu.dma_semaphore, #tpu.memory_space<semaphore_mem>>) src(%dma_wait3A_21 : memref<8192x1024xf32, #tpu.memory_space<hbm>>) dst(%arg9 : memref<32x1024xf32, #tpu.memory_space<vmem>>)
    %dma_start3A_22 = arith.constant 0 : i32
    %dma_start3A_23 = tpu.memref_slice %arg5[%mul3A_2, %dma_start3A_22] : memref<2048x1024xf32, #tpu.memory_space<hbm>> -> memref<32x1024xf32, #tpu.memory_space<hbm>>
    %dma_start3A_24 = arith.constant 0 : i32
    %dma_start3A_25 = tpu.memref_slice %arg5[%mul3A_2, %dma_start3A_24] : memref<2048x1024xf32, #tpu.memory_space<hbm>> -> memref<32x1024xf32, #tpu.memory_space<hbm>>
    tpu.enqueue_dma source(%arg9 : memref<32x1024xf32, #tpu.memory_space<vmem>>) target(%dma_start3A_25 : memref<32x1024xf32, #tpu.memory_space<hbm>>) target_semaphore(%arg13 : memref<!tpu.dma_semaphore, #tpu.memory_space<semaphore_mem>>)
    %dma_wait3A_26 = arith.constant 0 : i32
    %dma_wait3A_27 = arith.constant 0 : i32
    %dma_wait3A_28 = tpu.memref_slice %arg8[%dma_wait3A_26, %dma_wait3A_27] : memref<1x64xi32, #tpu.memory_space<vmem>> -> memref<1x32xi32, #tpu.memory_space<vmem>>
    %dma_wait3A_29 = tpu.memref_squeeze %dma_wait3A_28 : memref<1x32xi32, #tpu.memory_space<vmem>> -> memref<32xi32, #tpu.memory_space<vmem>>
    %dma_wait3A_30 = arith.constant 0 : i32
    %dma_wait3A_31 = arith.constant 0 : i32
    %dma_wait3A_32 = tpu.memref_slice %arg2[%dma_wait3A_30, %dma_wait3A_31] : memref<8192x1024xf32, #tpu.memory_space<hbm>> -> memref<8192x1024xf32, #tpu.memory_space<hbm>>
    tpu.wait_indirect_dma semaphore(%arg12 : memref<!tpu.dma_semaphore, #tpu.memory_space<semaphore_mem>>) src(%dma_wait3A_32 : memref<8192x1024xf32, #tpu.memory_space<hbm>>) dst(%arg10 : memref<32x1024xf32, #tpu.memory_space<vmem>>)
    %dma_start3A_33 = arith.constant 0 : i32
    %dma_start3A_34 = tpu.memref_slice %arg6[%mul3A_2, %dma_start3A_33] : memref<2048x1024xf32, #tpu.memory_space<hbm>> -> memref<32x1024xf32, #tpu.memory_space<hbm>>
    %dma_start3A_35 = arith.constant 0 : i32
    %dma_start3A_36 = tpu.memref_slice %arg6[%mul3A_2, %dma_start3A_35] : memref<2048x1024xf32, #tpu.memory_space<hbm>> -> memref<32x1024xf32, #tpu.memory_space<hbm>>
    tpu.enqueue_dma source(%arg10 : memref<32x1024xf32, #tpu.memory_space<vmem>>) target(%dma_start3A_36 : memref<32x1024xf32, #tpu.memory_space<hbm>>) target_semaphore(%arg14 : memref<!tpu.dma_semaphore, #tpu.memory_space<semaphore_mem>>)
    %dma_wait3A_37 = arith.constant 0 : i32
    %dma_wait3A_38 = tpu.memref_slice %arg5[%mul3A_2, %dma_wait3A_37] : memref<2048x1024xf32, #tpu.memory_space<hbm>> -> memref<32x1024xf32, #tpu.memory_space<hbm>>
    %dma_wait3A_39 = arith.constant 0 : i32
    %dma_wait3A_40 = tpu.memref_slice %arg5[%mul3A_2, %dma_wait3A_39] : memref<2048x1024xf32, #tpu.memory_space<hbm>> -> memref<32x1024xf32, #tpu.memory_space<hbm>>
    tpu.wait_dma2 semaphore(%arg13 : memref<!tpu.dma_semaphore, #tpu.memory_space<semaphore_mem>>) src(%arg9 : memref<32x1024xf32, #tpu.memory_space<vmem>>) dst(%dma_wait3A_40 : memref<32x1024xf32, #tpu.memory_space<hbm>>)
    %dma_start3A_41 = arith.constant 0 : i32
    %dma_start3A_42 = arith.constant 32 : i32
    %dma_start3A_43 = tpu.memref_slice %arg7[%dma_start3A_41, %dma_start3A_42] : memref<1x64xi32, #tpu.memory_space<vmem>> -> memref<1x32xi32, #tpu.memory_space<vmem>>
    %dma_start3A_44 = tpu.memref_squeeze %dma_start3A_43 : memref<1x32xi32, #tpu.memory_space<vmem>> -> memref<32xi32, #tpu.memory_space<vmem>>
    %dma_start3A_45 = arith.constant 0 : i32
    %dma_start3A_46 = arith.constant 0 : i32
    %dma_start3A_47 = tpu.memref_slice %arg2[%dma_start3A_45, %dma_start3A_46] : memref<8192x1024xf32, #tpu.memory_space<hbm>> -> memref<8192x1024xf32, #tpu.memory_space<hbm>>
    tpu.enqueue_indirect_dma source(%dma_start3A_47 : memref<8192x1024xf32, #tpu.memory_space<hbm>>) target(%arg9 : memref<32x1024xf32, #tpu.memory_space<vmem>>) offsets(%dma_start3A_44 : memref<32xi32, #tpu.memory_space<vmem>>) semaphore(%arg11 : memref<!tpu.dma_semaphore, #tpu.memory_space<semaphore_mem>>)
    %dma_wait3A_48 = arith.constant 0 : i32
    %dma_wait3A_49 = tpu.memref_slice %arg6[%mul3A_2, %dma_wait3A_48] : memref<2048x1024xf32, #tpu.memory_space<hbm>> -> memref<32x1024xf32, #tpu.memory_space<hbm>>
    %dma_wait3A_50 = arith.constant 0 : i32
    %dma_wait3A_51 = tpu.memref_slice %arg6[%mul3A_2, %dma_wait3A_50] : memref<2048x1024xf32, #tpu.memory_space<hbm>> -> memref<32x1024xf32, #tpu.memory_space<hbm>>
    tpu.wait_dma2 semaphore(%arg14 : memref<!tpu.dma_semaphore, #tpu.memory_space<semaphore_mem>>) src(%arg10 : memref<32x1024xf32, #tpu.memory_space<vmem>>) dst(%dma_wait3A_51 : memref<32x1024xf32, #tpu.memory_space<hbm>>)
    %dma_start3A_52 = arith.constant 0 : i32
    %dma_start3A_53 = arith.constant 32 : i32
    %dma_start3A_54 = tpu.memref_slice %arg8[%dma_start3A_52, %dma_start3A_53] : memref<1x64xi32, #tpu.memory_space<vmem>> -> memref<1x32xi32, #tpu.memory_space<vmem>>
    %dma_start3A_55 = tpu.memref_squeeze %dma_start3A_54 : memref<1x32xi32, #tpu.memory_space<vmem>> -> memref<32xi32, #tpu.memory_space<vmem>>
    %dma_start3A_56 = arith.constant 0 : i32
    %dma_start3A_57 = arith.constant 0 : i32
    %dma_start3A_58 = tpu.memref_slice %arg2[%dma_start3A_56, %dma_start3A_57] : memref<8192x1024xf32, #tpu.memory_space<hbm>> -> memref<8192x1024xf32, #tpu.memory_space<hbm>>
    tpu.enqueue_indirect_dma source(%dma_start3A_58 : memref<8192x1024xf32, #tpu.memory_space<hbm>>) target(%arg10 : memref<32x1024xf32, #tpu.memory_space<vmem>>) offsets(%dma_start3A_55 : memref<32xi32, #tpu.memory_space<vmem>>) semaphore(%arg12 : memref<!tpu.dma_semaphore, #tpu.memory_space<semaphore_mem>>)
    %dma_wait3A_59 = arith.constant 0 : i32
    %dma_wait3A_60 = arith.constant 32 : i32
    %dma_wait3A_61 = tpu.memref_slice %arg7[%dma_wait3A_59, %dma_wait3A_60] : memref<1x64xi32, #tpu.memory_space<vmem>> -> memref<1x32xi32, #tpu.memory_space<vmem>>
    %dma_wait3A_62 = tpu.memref_squeeze %dma_wait3A_61 : memref<1x32xi32, #tpu.memory_space<vmem>> -> memref<32xi32, #tpu.memory_space<vmem>>
    %dma_wait3A_63 = arith.constant 0 : i32
    %dma_wait3A_64 = arith.constant 0 : i32
    %dma_wait3A_65 = tpu.memref_slice %arg2[%dma_wait3A_63, %dma_wait3A_64] : memref<8192x1024xf32, #tpu.memory_space<hbm>> -> memref<8192x1024xf32, #tpu.memory_space<hbm>>
    tpu.wait_indirect_dma semaphore(%arg11 : memref<!tpu.dma_semaphore, #tpu.memory_space<semaphore_mem>>) src(%dma_wait3A_65 : memref<8192x1024xf32, #tpu.memory_space<hbm>>) dst(%arg9 : memref<32x1024xf32, #tpu.memory_space<vmem>>)
    %add3A_66 = arith.constant 32 : i32
    %add3A_67 = arith.addi %mul3A_2, %add3A_66 : i32
    %dma_start3A_68 = arith.constant 0 : i32
    %dma_start3A_69 = tpu.memref_slice %arg5[%add3A_67, %dma_start3A_68] : memref<2048x1024xf32, #tpu.memory_space<hbm>> -> memref<32x1024xf32, #tpu.memory_space<hbm>>
    %dma_start3A_70 = arith.constant 0 : i32
    %dma_start3A_71 = tpu.memref_slice %arg5[%add3A_67, %dma_start3A_70] : memref<2048x1024xf32, #tpu.memory_space<hbm>> -> memref<32x1024xf32, #tpu.memory_space<hbm>>
    tpu.enqueue_dma source(%arg9 : memref<32x1024xf32, #tpu.memory_space<vmem>>) target(%dma_start3A_71 : memref<32x1024xf32, #tpu.memory_space<hbm>>) target_semaphore(%arg13 : memref<!tpu.dma_semaphore, #tpu.memory_space<semaphore_mem>>)
    %dma_wait3A_72 = arith.constant 0 : i32
    %dma_wait3A_73 = arith.constant 32 : i32
    %dma_wait3A_74 = tpu.memref_slice %arg8[%dma_wait3A_72, %dma_wait3A_73] : memref<1x64xi32, #tpu.memory_space<vmem>> -> memref<1x32xi32, #tpu.memory_space<vmem>>
    %dma_wait3A_75 = tpu.memref_squeeze %dma_wait3A_74 : memref<1x32xi32, #tpu.memory_space<vmem>> -> memref<32xi32, #tpu.memory_space<vmem>>
    %dma_wait3A_76 = arith.constant 0 : i32
    %dma_wait3A_77 = arith.constant 0 : i32
    %dma_wait3A_78 = tpu.memref_slice %arg2[%dma_wait3A_76, %dma_wait3A_77] : memref<8192x1024xf32, #tpu.memory_space<hbm>> -> memref<8192x1024xf32, #tpu.memory_space<hbm>>
    tpu.wait_indirect_dma semaphore(%arg12 : memref<!tpu.dma_semaphore, #tpu.memory_space<semaphore_mem>>) src(%dma_wait3A_78 : memref<8192x1024xf32, #tpu.memory_space<hbm>>) dst(%arg10 : memref<32x1024xf32, #tpu.memory_space<vmem>>)
    %add3A_79 = arith.constant 32 : i32
    %add3A_80 = arith.addi %mul3A_2, %add3A_79 : i32
    %dma_start3A_81 = arith.constant 0 : i32
    %dma_start3A_82 = tpu.memref_slice %arg6[%add3A_80, %dma_start3A_81] : memref<2048x1024xf32, #tpu.memory_space<hbm>> -> memref<32x1024xf32, #tpu.memory_space<hbm>>
    %dma_start3A_83 = arith.constant 0 : i32
    %dma_start3A_84 = tpu.memref_slice %arg6[%add3A_80, %dma_start3A_83] : memref<2048x1024xf32, #tpu.memory_space<hbm>> -> memref<32x1024xf32, #tpu.memory_space<hbm>>
    tpu.enqueue_dma source(%arg10 : memref<32x1024xf32, #tpu.memory_space<vmem>>) target(%dma_start3A_84 : memref<32x1024xf32, #tpu.memory_space<hbm>>) target_semaphore(%arg14 : memref<!tpu.dma_semaphore, #tpu.memory_space<semaphore_mem>>)
    %dma_wait3A_85 = arith.constant 0 : i32
    %dma_wait3A_86 = tpu.memref_slice %arg5[%add3A_67, %dma_wait3A_85] : memref<2048x1024xf32, #tpu.memory_space<hbm>> -> memref<32x1024xf32, #tpu.memory_space<hbm>>
    %dma_wait3A_87 = arith.constant 0 : i32
    %dma_wait3A_88 = tpu.memref_slice %arg5[%add3A_67, %dma_wait3A_87] : memref<2048x1024xf32, #tpu.memory_space<hbm>> -> memref<32x1024xf32, #tpu.memory_space<hbm>>
    tpu.wait_dma2 semaphore(%arg13 : memref<!tpu.dma_semaphore, #tpu.memory_space<semaphore_mem>>) src(%arg9 : memref<32x1024xf32, #tpu.memory_space<vmem>>) dst(%dma_wait3A_88 : memref<32x1024xf32, #tpu.memory_space<hbm>>)
    %dma_wait3A_89 = arith.constant 0 : i32
    %dma_wait3A_90 = tpu.memref_slice %arg6[%add3A_80, %dma_wait3A_89] : memref<2048x1024xf32, #tpu.memory_space<hbm>> -> memref<32x1024xf32, #tpu.memory_space<hbm>>
    %dma_wait3A_91 = arith.constant 0 : i32
    %dma_wait3A_92 = tpu.memref_slice %arg6[%add3A_80, %dma_wait3A_91] : memref<2048x1024xf32, #tpu.memory_space<hbm>> -> memref<32x1024xf32, #tpu.memory_space<hbm>>
    tpu.wait_dma2 semaphore(%arg14 : memref<!tpu.dma_semaphore, #tpu.memory_space<semaphore_mem>>) src(%arg10 : memref<32x1024xf32, #tpu.memory_space<vmem>>) dst(%dma_wait3A_92 : memref<32x1024xf32, #tpu.memory_space<hbm>>)
    return
  }
}

#map = affine_map<(d0, d1) -> (0, 0)>
#map1 = affine_map<(d0, d1) -> (0, 0, 0)>
module attributes {stable_mosaic.version = 14 : i64} {
  func.func @disp_k(%arg0: i32, %arg1: i32, %arg2: memref<2048x1024xf32, #tpu.memory_space<hbm>>, %arg3: memref<32x1x64xi32, #tpu.memory_space<hbm>>, %arg4: memref<32x1x64xi32, #tpu.memory_space<hbm>>, %arg5: memref<8192x1024xf32, #tpu.memory_space<hbm>>, %arg6: memref<1x64xi32, #tpu.memory_space<vmem>>, %arg7: memref<1x64xi32, #tpu.memory_space<vmem>>, %arg8: memref<64x1024xf32, #tpu.memory_space<vmem>>, %arg9: memref<!tpu.dma_semaphore, #tpu.memory_space<semaphore_mem>>, %arg10: memref<!tpu.dma_semaphore, #tpu.memory_space<semaphore_mem>>, %arg11: memref<!tpu.dma_semaphore, #tpu.memory_space<semaphore_mem>>) attributes {dimension_semantics = [#tpu.dimension_semantics<core_parallel>, #tpu.dimension_semantics<subcore_parallel>], iteration_bounds = array<i64: 2, 16>, scalar_prefetch = 0 : i64, scratch_operands = 6 : i64, tpu.core_type = #tpu.core_type<sc_vector_subcore>, window_params = [{transform_indices = #map}, {transform_indices = #map1}, {transform_indices = #map1}, {transform_indices = #map}]} {
    %mul3A = arith.constant 16 : i32
    %mul3A_0 = arith.muli %arg0, %mul3A : i32
    %add3A = arith.addi %mul3A_0, %arg1 : i32
    %mul3A_1 = arith.constant 64 : i32
    %mul3A_2 = arith.muli %add3A, %mul3A_1 : i32
    %dma_start3A = arith.constant 0 : i32
    %dma_start3A_3 = tpu.memref_slice %arg2[%mul3A_2, %dma_start3A] : memref<2048x1024xf32, #tpu.memory_space<hbm>> -> memref<64x1024xf32, #tpu.memory_space<hbm>>
    %dma_start3A_4 = arith.constant 0 : i32
    %dma_start3A_5 = tpu.memref_slice %arg2[%mul3A_2, %dma_start3A_4] : memref<2048x1024xf32, #tpu.memory_space<hbm>> -> memref<64x1024xf32, #tpu.memory_space<hbm>>
    tpu.enqueue_dma source(%dma_start3A_5 : memref<64x1024xf32, #tpu.memory_space<hbm>>) target(%arg8 : memref<64x1024xf32, #tpu.memory_space<vmem>>) target_semaphore(%arg9 : memref<!tpu.dma_semaphore, #tpu.memory_space<semaphore_mem>>)
    "tpu.region"() ({
      %run_scoped3A = tpu.sem_alloc : memref<!tpu.dma_semaphore, #tpu.memory_space<semaphore_mem>>
      %dma_start3A_37 = arith.constant 0 : i32
      %dma_start3A_38 = arith.constant 0 : i32
      %dma_start3A_39 = tpu.memref_slice %arg3[%add3A, %dma_start3A_37, %dma_start3A_38] : memref<32x1x64xi32, #tpu.memory_space<hbm>> -> memref<1x1x64xi32, #tpu.memory_space<hbm>>
      %dma_start3A_40 = tpu.memref_squeeze %dma_start3A_39 : memref<1x1x64xi32, #tpu.memory_space<hbm>> -> memref<1x64xi32, #tpu.memory_space<hbm>>
      %dma_start3A_41 = arith.constant 0 : i32
      %dma_start3A_42 = arith.constant 0 : i32
      %dma_start3A_43 = tpu.memref_slice %arg3[%add3A, %dma_start3A_41, %dma_start3A_42] : memref<32x1x64xi32, #tpu.memory_space<hbm>> -> memref<1x1x64xi32, #tpu.memory_space<hbm>>
      %dma_start3A_44 = tpu.memref_squeeze %dma_start3A_43 : memref<1x1x64xi32, #tpu.memory_space<hbm>> -> memref<1x64xi32, #tpu.memory_space<hbm>>
      tpu.enqueue_dma source(%dma_start3A_44 : memref<1x64xi32, #tpu.memory_space<hbm>>) target(%arg6 : memref<1x64xi32, #tpu.memory_space<vmem>>) target_semaphore(%run_scoped3A : memref<!tpu.dma_semaphore, #tpu.memory_space<semaphore_mem>>)
      %dma_wait3A_45 = arith.constant 0 : i32
      %dma_wait3A_46 = arith.constant 0 : i32
      %dma_wait3A_47 = tpu.memref_slice %arg3[%add3A, %dma_wait3A_45, %dma_wait3A_46] : memref<32x1x64xi32, #tpu.memory_space<hbm>> -> memref<1x1x64xi32, #tpu.memory_space<hbm>>
      %dma_wait3A_48 = tpu.memref_squeeze %dma_wait3A_47 : memref<1x1x64xi32, #tpu.memory_space<hbm>> -> memref<1x64xi32, #tpu.memory_space<hbm>>
      %dma_wait3A_49 = arith.constant 0 : i32
      %dma_wait3A_50 = arith.constant 0 : i32
      %dma_wait3A_51 = tpu.memref_slice %arg3[%add3A, %dma_wait3A_49, %dma_wait3A_50] : memref<32x1x64xi32, #tpu.memory_space<hbm>> -> memref<1x1x64xi32, #tpu.memory_space<hbm>>
      %dma_wait3A_52 = tpu.memref_squeeze %dma_wait3A_51 : memref<1x1x64xi32, #tpu.memory_space<hbm>> -> memref<1x64xi32, #tpu.memory_space<hbm>>
      tpu.wait_dma2 semaphore(%run_scoped3A : memref<!tpu.dma_semaphore, #tpu.memory_space<semaphore_mem>>) src(%dma_wait3A_52 : memref<1x64xi32, #tpu.memory_space<hbm>>) dst(%arg6 : memref<1x64xi32, #tpu.memory_space<vmem>>)
      tpu.yield
    }) : () -> ()
    "tpu.region"() ({
      %run_scoped3A = tpu.sem_alloc : memref<!tpu.dma_semaphore, #tpu.memory_space<semaphore_mem>>
      %dma_start3A_37 = arith.constant 0 : i32
      %dma_start3A_38 = arith.constant 0 : i32
      %dma_start3A_39 = tpu.memref_slice %arg4[%add3A, %dma_start3A_37, %dma_start3A_38] : memref<32x1x64xi32, #tpu.memory_space<hbm>> -> memref<1x1x64xi32, #tpu.memory_space<hbm>>
      %dma_start3A_40 = tpu.memref_squeeze %dma_start3A_39 : memref<1x1x64xi32, #tpu.memory_space<hbm>> -> memref<1x64xi32, #tpu.memory_space<hbm>>
      %dma_start3A_41 = arith.constant 0 : i32
      %dma_start3A_42 = arith.constant 0 : i32
      %dma_start3A_43 = tpu.memref_slice %arg4[%add3A, %dma_start3A_41, %dma_start3A_42] : memref<32x1x64xi32, #tpu.memory_space<hbm>> -> memref<1x1x64xi32, #tpu.memory_space<hbm>>
      %dma_start3A_44 = tpu.memref_squeeze %dma_start3A_43 : memref<1x1x64xi32, #tpu.memory_space<hbm>> -> memref<1x64xi32, #tpu.memory_space<hbm>>
      tpu.enqueue_dma source(%dma_start3A_44 : memref<1x64xi32, #tpu.memory_space<hbm>>) target(%arg7 : memref<1x64xi32, #tpu.memory_space<vmem>>) target_semaphore(%run_scoped3A : memref<!tpu.dma_semaphore, #tpu.memory_space<semaphore_mem>>)
      %dma_wait3A_45 = arith.constant 0 : i32
      %dma_wait3A_46 = arith.constant 0 : i32
      %dma_wait3A_47 = tpu.memref_slice %arg4[%add3A, %dma_wait3A_45, %dma_wait3A_46] : memref<32x1x64xi32, #tpu.memory_space<hbm>> -> memref<1x1x64xi32, #tpu.memory_space<hbm>>
      %dma_wait3A_48 = tpu.memref_squeeze %dma_wait3A_47 : memref<1x1x64xi32, #tpu.memory_space<hbm>> -> memref<1x64xi32, #tpu.memory_space<hbm>>
      %dma_wait3A_49 = arith.constant 0 : i32
      %dma_wait3A_50 = arith.constant 0 : i32
      %dma_wait3A_51 = tpu.memref_slice %arg4[%add3A, %dma_wait3A_49, %dma_wait3A_50] : memref<32x1x64xi32, #tpu.memory_space<hbm>> -> memref<1x1x64xi32, #tpu.memory_space<hbm>>
      %dma_wait3A_52 = tpu.memref_squeeze %dma_wait3A_51 : memref<1x1x64xi32, #tpu.memory_space<hbm>> -> memref<1x64xi32, #tpu.memory_space<hbm>>
      tpu.wait_dma2 semaphore(%run_scoped3A : memref<!tpu.dma_semaphore, #tpu.memory_space<semaphore_mem>>) src(%dma_wait3A_52 : memref<1x64xi32, #tpu.memory_space<hbm>>) dst(%arg7 : memref<1x64xi32, #tpu.memory_space<vmem>>)
      tpu.yield
    }) : () -> ()
    %dma_wait3A = arith.constant 0 : i32
    %dma_wait3A_6 = tpu.memref_slice %arg2[%mul3A_2, %dma_wait3A] : memref<2048x1024xf32, #tpu.memory_space<hbm>> -> memref<64x1024xf32, #tpu.memory_space<hbm>>
    %dma_wait3A_7 = arith.constant 0 : i32
    %dma_wait3A_8 = tpu.memref_slice %arg2[%mul3A_2, %dma_wait3A_7] : memref<2048x1024xf32, #tpu.memory_space<hbm>> -> memref<64x1024xf32, #tpu.memory_space<hbm>>
    tpu.wait_dma2 semaphore(%arg9 : memref<!tpu.dma_semaphore, #tpu.memory_space<semaphore_mem>>) src(%dma_wait3A_8 : memref<64x1024xf32, #tpu.memory_space<hbm>>) dst(%arg8 : memref<64x1024xf32, #tpu.memory_space<vmem>>)
    %dma_start3A_9 = arith.constant 0 : i32
    %dma_start3A_10 = arith.constant 0 : i32
    %dma_start3A_11 = tpu.memref_slice %arg6[%dma_start3A_9, %dma_start3A_10] : memref<1x64xi32, #tpu.memory_space<vmem>> -> memref<1x64xi32, #tpu.memory_space<vmem>>
    %dma_start3A_12 = tpu.memref_squeeze %dma_start3A_11 : memref<1x64xi32, #tpu.memory_space<vmem>> -> memref<64xi32, #tpu.memory_space<vmem>>
    %dma_start3A_13 = arith.constant 0 : i32
    %dma_start3A_14 = arith.constant 0 : i32
    %dma_start3A_15 = tpu.memref_slice %arg5[%dma_start3A_13, %dma_start3A_14] : memref<8192x1024xf32, #tpu.memory_space<hbm>> -> memref<8192x1024xf32, #tpu.memory_space<hbm>>
    tpu.enqueue_indirect_dma source(%arg8 : memref<64x1024xf32, #tpu.memory_space<vmem>>) target(%dma_start3A_15 : memref<8192x1024xf32, #tpu.memory_space<hbm>>) offsets(%dma_start3A_12 : memref<64xi32, #tpu.memory_space<vmem>>) semaphore(%arg10 : memref<!tpu.dma_semaphore, #tpu.memory_space<semaphore_mem>>)
    %dma_start3A_16 = arith.constant 0 : i32
    %dma_start3A_17 = arith.constant 0 : i32
    %dma_start3A_18 = tpu.memref_slice %arg7[%dma_start3A_16, %dma_start3A_17] : memref<1x64xi32, #tpu.memory_space<vmem>> -> memref<1x64xi32, #tpu.memory_space<vmem>>
    %dma_start3A_19 = tpu.memref_squeeze %dma_start3A_18 : memref<1x64xi32, #tpu.memory_space<vmem>> -> memref<64xi32, #tpu.memory_space<vmem>>
    %dma_start3A_20 = arith.constant 0 : i32
    %dma_start3A_21 = arith.constant 0 : i32
    %dma_start3A_22 = tpu.memref_slice %arg5[%dma_start3A_20, %dma_start3A_21] : memref<8192x1024xf32, #tpu.memory_space<hbm>> -> memref<8192x1024xf32, #tpu.memory_space<hbm>>
    tpu.enqueue_indirect_dma source(%arg8 : memref<64x1024xf32, #tpu.memory_space<vmem>>) target(%dma_start3A_22 : memref<8192x1024xf32, #tpu.memory_space<hbm>>) offsets(%dma_start3A_19 : memref<64xi32, #tpu.memory_space<vmem>>) semaphore(%arg11 : memref<!tpu.dma_semaphore, #tpu.memory_space<semaphore_mem>>)
    %dma_wait3A_23 = arith.constant 0 : i32
    %dma_wait3A_24 = arith.constant 0 : i32
    %dma_wait3A_25 = tpu.memref_slice %arg6[%dma_wait3A_23, %dma_wait3A_24] : memref<1x64xi32, #tpu.memory_space<vmem>> -> memref<1x64xi32, #tpu.memory_space<vmem>>
    %dma_wait3A_26 = tpu.memref_squeeze %dma_wait3A_25 : memref<1x64xi32, #tpu.memory_space<vmem>> -> memref<64xi32, #tpu.memory_space<vmem>>
    %dma_wait3A_27 = arith.constant 0 : i32
    %dma_wait3A_28 = arith.constant 0 : i32
    %dma_wait3A_29 = tpu.memref_slice %arg5[%dma_wait3A_27, %dma_wait3A_28] : memref<8192x1024xf32, #tpu.memory_space<hbm>> -> memref<8192x1024xf32, #tpu.memory_space<hbm>>
    tpu.wait_indirect_dma semaphore(%arg10 : memref<!tpu.dma_semaphore, #tpu.memory_space<semaphore_mem>>) src(%arg8 : memref<64x1024xf32, #tpu.memory_space<vmem>>) dst(%dma_wait3A_29 : memref<8192x1024xf32, #tpu.memory_space<hbm>>)
    %dma_wait3A_30 = arith.constant 0 : i32
    %dma_wait3A_31 = arith.constant 0 : i32
    %dma_wait3A_32 = tpu.memref_slice %arg7[%dma_wait3A_30, %dma_wait3A_31] : memref<1x64xi32, #tpu.memory_space<vmem>> -> memref<1x64xi32, #tpu.memory_space<vmem>>
    %dma_wait3A_33 = tpu.memref_squeeze %dma_wait3A_32 : memref<1x64xi32, #tpu.memory_space<vmem>> -> memref<64xi32, #tpu.memory_space<vmem>>
    %dma_wait3A_34 = arith.constant 0 : i32
    %dma_wait3A_35 = arith.constant 0 : i32
    %dma_wait3A_36 = tpu.memref_slice %arg5[%dma_wait3A_34, %dma_wait3A_35] : memref<8192x1024xf32, #tpu.memory_space<hbm>> -> memref<8192x1024xf32, #tpu.memory_space<hbm>>
    tpu.wait_indirect_dma semaphore(%arg11 : memref<!tpu.dma_semaphore, #tpu.memory_space<semaphore_mem>>) src(%arg8 : memref<64x1024xf32, #tpu.memory_space<vmem>>) dst(%dma_wait3A_36 : memref<8192x1024xf32, #tpu.memory_space<hbm>>)
    return
  }
}

module attributes {stable_mosaic.version = 14 : i64} {
  func.func @_gate_body(%arg0: memref<2048x1024xf32, #tpu.memory_space<vmem>>, %arg1: memref<8x1024xf32, #tpu.memory_space<vmem>>, %arg2: memref<1x8xf32, #tpu.memory_space<vmem>>, %arg3: memref<2048x2xf32, #tpu.memory_space<vmem>>, %arg4: memref<2048x1xi32, #tpu.memory_space<vmem>>, %arg5: memref<2048x1xi32, #tpu.memory_space<vmem>>, %arg6: memref<16x1xi32, #tpu.memory_space<vmem>>, %arg7: memref<1x1xi32, #tpu.memory_space<vmem>>) attributes {dimension_semantics = [], scalar_prefetch = 0 : i64, scratch_operands = 0 : i64, tpu.core_type = #tpu.core_type<tc>} {
    %get3A = arith.constant 0 : index
    %get3A_0 = arith.constant 0 : index
    %get3A_1 = vector.load %arg0[%get3A, %get3A_0] : memref<2048x1024xf32, #tpu.memory_space<vmem>>, vector<2048x1024xf32>
    %get3A_2 = arith.constant 0 : index
    %get3A_3 = arith.constant 0 : index
    %get3A_4 = vector.load %arg1[%get3A_2, %get3A_3] : memref<8x1024xf32, #tpu.memory_space<vmem>>, vector<8x1024xf32>
    %dot_general3A = arith.constant dense<0.000000e+00> : vector<2048x8xf32>
    %dot_general3A_5 = tpu.matmul %get3A_1, %get3A_4, %dot_general3A {dimension_numbers = #tpu.dot_dimension_numbers<[1], [1], [0], [0], [0, 0, 1, 0], [], []>, transpose_lhs_hint = false} : vector<2048x1024xf32>, vector<8x1024xf32>, vector<2048x8xf32> -> vector<2048x8xf32>
    %get3A_6 = arith.constant 0 : index
    %get3A_7 = arith.constant 0 : index
    %get3A_8 = vector.load %arg2[%get3A_6, %get3A_7] : memref<1x8xf32, #tpu.memory_space<vmem>>, vector<1x8xf32>
    %add3A = vector.broadcast %get3A_8 : vector<1x8xf32> to vector<2048x8xf32>
    %add3A_9 = arith.addf %dot_general3A_5, %add3A : vector<2048x8xf32>
    %reduce_max3A = arith.constant dense<0xFF800000> : vector<2048xf32>
    %reduce_max3A_10 = vector.multi_reduction <maximumf>, %add3A_9, %reduce_max3A [1] : vector<2048x8xf32> to vector<2048xf32>
    %broadcast_in_dim3A = vector.shape_cast %reduce_max3A_10 : vector<2048xf32> to vector<2048x1xf32>
    %sub3A = vector.broadcast %broadcast_in_dim3A : vector<2048x1xf32> to vector<2048x8xf32>
    %sub3A_11 = arith.subf %add3A_9, %sub3A : vector<2048x8xf32>
    %exp3A = math.exp %sub3A_11 : vector<2048x8xf32>
    %reduce_sum3A = arith.constant dense<0.000000e+00> : vector<2048xf32>
    %reduce_sum3A_12 = vector.multi_reduction <add>, %exp3A, %reduce_sum3A [1] : vector<2048x8xf32> to vector<2048xf32>
    %broadcast_in_dim3A_13 = vector.shape_cast %reduce_sum3A_12 : vector<2048xf32> to vector<2048x1xf32>
    %div3A = vector.broadcast %broadcast_in_dim3A_13 : vector<2048x1xf32> to vector<2048x8xf32>
    %div3A_14 = arith.divf %exp3A, %div3A : vector<2048x8xf32>
    %iota3A = tpu.iota {dimensions = array<i32: 1>} : vector<2048x8xi32>
    %reduce_max3A_15 = arith.constant dense<0xFF800000> : vector<2048xf32>
    %reduce_max3A_16 = vector.multi_reduction <maximumf>, %div3A_14, %reduce_max3A_15 [1] : vector<2048x8xf32> to vector<2048xf32>
    %broadcast_in_dim3A_17 = vector.shape_cast %reduce_max3A_16 : vector<2048xf32> to vector<2048x1xf32>
    %eq3A = vector.broadcast %broadcast_in_dim3A_17 : vector<2048x1xf32> to vector<2048x8xf32>
    %eq3A_18 = arith.cmpf oeq, %div3A_14, %eq3A : vector<2048x8xf32>
    %jit3A = arith.constant 8 : i32
    %broadcast_in_dim3A_19 = vector.broadcast %jit3A : i32 to vector<2048x8xi32>
    %select_n3A = arith.select %eq3A_18, %iota3A, %broadcast_in_dim3A_19 : vector<2048x8xi1>, vector<2048x8xi32>
    %reduce_min3A = arith.constant dense<2147483647> : vector<2048xi32>
    %reduce_min3A_20 = vector.multi_reduction <minsi>, %select_n3A, %reduce_min3A [1] : vector<2048x8xi32> to vector<2048xi32>
    %broadcast_in_dim3A_21 = vector.shape_cast %reduce_min3A_20 : vector<2048xi32> to vector<2048x1xi32>
    %eq3A_22 = vector.broadcast %broadcast_in_dim3A_21 : vector<2048x1xi32> to vector<2048x8xi32>
    %eq3A_23 = arith.cmpi eq, %iota3A, %eq3A_22 : vector<2048x8xi32>
    %jit3A_24 = arith.constant 0xFF800000 : f32
    %broadcast_in_dim3A_25 = vector.broadcast %jit3A_24 : f32 to vector<2048x8xf32>
    %select_n3A_26 = arith.select %eq3A_23, %broadcast_in_dim3A_25, %div3A_14 : vector<2048x8xi1>, vector<2048x8xf32>
    %reduce_max3A_27 = arith.constant dense<0xFF800000> : vector<2048xf32>
    %reduce_max3A_28 = vector.multi_reduction <maximumf>, %select_n3A_26, %reduce_max3A_27 [1] : vector<2048x8xf32> to vector<2048xf32>
    %broadcast_in_dim3A_29 = vector.shape_cast %reduce_max3A_28 : vector<2048xf32> to vector<2048x1xf32>
    %eq3A_30 = vector.broadcast %broadcast_in_dim3A_29 : vector<2048x1xf32> to vector<2048x8xf32>
    %eq3A_31 = arith.cmpf oeq, %select_n3A_26, %eq3A_30 : vector<2048x8xf32>
    %jit3A_32 = arith.constant 8 : i32
    %broadcast_in_dim3A_33 = vector.broadcast %jit3A_32 : i32 to vector<2048x8xi32>
    %select_n3A_34 = arith.select %eq3A_31, %iota3A, %broadcast_in_dim3A_33 : vector<2048x8xi1>, vector<2048x8xi32>
    %reduce_min3A_35 = arith.constant dense<2147483647> : vector<2048xi32>
    %reduce_min3A_36 = vector.multi_reduction <minsi>, %select_n3A_34, %reduce_min3A_35 [1] : vector<2048x8xi32> to vector<2048xi32>
    %broadcast_in_dim3A_37 = vector.shape_cast %reduce_min3A_36 : vector<2048xi32> to vector<2048x1xi32>
    %concatenate3A = tpu.concatenate %broadcast_in_dim3A_17, %broadcast_in_dim3A_29 in 1 : vector<2048x1xf32>, vector<2048x1xf32> -> vector<2048x2xf32>
    %swap3A = arith.constant 0 : index
    %swap3A_38 = arith.constant 0 : index
    %swap3A_39 = vector.load %arg3[%swap3A, %swap3A_38] : memref<2048x2xf32, #tpu.memory_space<vmem>>, vector<2048x2xf32>
    tpu.vector_store %arg3[%swap3A, %swap3A_38], %concatenate3A {strides = array<i32>} : memref<2048x2xf32, #tpu.memory_space<vmem>>, vector<2048x2xf32>,
    %eq3A_40 = vector.broadcast %broadcast_in_dim3A_21 : vector<2048x1xi32> to vector<2048x8xi32>
    %eq3A_41 = arith.cmpi eq, %iota3A, %eq3A_40 : vector<2048x8xi32>
    %convert_element_type3A = arith.extui %eq3A_41 : vector<2048x8xi1> to vector<2048x8xi32>
    %convert_element_type3A_42 = arith.sitofp %convert_element_type3A : vector<2048x8xi32> to vector<2048x8xf32>
    %eq3A_43 = vector.broadcast %broadcast_in_dim3A_37 : vector<2048x1xi32> to vector<2048x8xi32>
    %eq3A_44 = arith.cmpi eq, %iota3A, %eq3A_43 : vector<2048x8xi32>
    %convert_element_type3A_45 = arith.extui %eq3A_44 : vector<2048x8xi1> to vector<2048x8xi32>
    %convert_element_type3A_46 = arith.sitofp %convert_element_type3A_45 : vector<2048x8xi32> to vector<2048x8xf32>
    %add3A_47 = arith.addf %convert_element_type3A_42, %convert_element_type3A_46 : vector<2048x8xf32>
    %broadcast_in_dim3A_48 = arith.constant 0.000000e+00 : f32
    %broadcast_in_dim3A_49 = vector.broadcast %broadcast_in_dim3A_48 : f32 to vector<1x8xf32>
    %slice3A = vector.extract_strided_slice %add3A_47 {offsets = [0, 0], sizes = [2047, 8], strides = [1, 1]} : vector<2048x8xf32> to vector<2047x8xf32>
    %concatenate3A_50 = tpu.concatenate %broadcast_in_dim3A_49, %slice3A in 0 : vector<1x8xf32>, vector<2047x8xf32> -> vector<2048x8xf32>
    %add3A_51 = arith.addf %add3A_47, %concatenate3A_50 : vector<2048x8xf32>
    %broadcast_in_dim3A_52 = arith.constant 0.000000e+00 : f32
    %broadcast_in_dim3A_53 = vector.broadcast %broadcast_in_dim3A_52 : f32 to vector<2x8xf32>
    %slice3A_54 = vector.extract_strided_slice %add3A_51 {offsets = [0, 0], sizes = [2046, 8], strides = [1, 1]} : vector<2048x8xf32> to vector<2046x8xf32>
    %concatenate3A_55 = tpu.concatenate %broadcast_in_dim3A_53, %slice3A_54 in 0 : vector<2x8xf32>, vector<2046x8xf32> -> vector<2048x8xf32>
    %add3A_56 = arith.addf %add3A_51, %concatenate3A_55 : vector<2048x8xf32>
    %broadcast_in_dim3A_57 = arith.constant 0.000000e+00 : f32
    %broadcast_in_dim3A_58 = vector.broadcast %broadcast_in_dim3A_57 : f32 to vector<4x8xf32>
    %slice3A_59 = vector.extract_strided_slice %add3A_56 {offsets = [0, 0], sizes = [2044, 8], strides = [1, 1]} : vector<2048x8xf32> to vector<2044x8xf32>
    %concatenate3A_60 = tpu.concatenate %broadcast_in_dim3A_58, %slice3A_59 in 0 : vector<4x8xf32>, vector<2044x8xf32> -> vector<2048x8xf32>
    %add3A_61 = arith.addf %add3A_56, %concatenate3A_60 : vector<2048x8xf32>
    %broadcast_in_dim3A_62 = arith.constant 0.000000e+00 : f32
    %broadcast_in_dim3A_63 = vector.broadcast %broadcast_in_dim3A_62 : f32 to vector<8x8xf32>
    %slice3A_64 = vector.extract_strided_slice %add3A_61 {offsets = [0, 0], sizes = [2040, 8], strides = [1, 1]} : vector<2048x8xf32> to vector<2040x8xf32>
    %concatenate3A_65 = tpu.concatenate %broadcast_in_dim3A_63, %slice3A_64 in 0 : vector<8x8xf32>, vector<2040x8xf32> -> vector<2048x8xf32>
    %add3A_66 = arith.addf %add3A_61, %concatenate3A_65 : vector<2048x8xf32>
    %broadcast_in_dim3A_67 = arith.constant 0.000000e+00 : f32
    %broadcast_in_dim3A_68 = vector.broadcast %broadcast_in_dim3A_67 : f32 to vector<16x8xf32>
    %slice3A_69 = vector.extract_strided_slice %add3A_66 {offsets = [0, 0], sizes = [2032, 8], strides = [1, 1]} : vector<2048x8xf32> to vector<2032x8xf32>
    %concatenate3A_70 = tpu.concatenate %broadcast_in_dim3A_68, %slice3A_69 in 0 : vector<16x8xf32>, vector<2032x8xf32> -> vector<2048x8xf32>
    %add3A_71 = arith.addf %add3A_66, %concatenate3A_70 : vector<2048x8xf32>
    %broadcast_in_dim3A_72 = arith.constant 0.000000e+00 : f32
    %broadcast_in_dim3A_73 = vector.broadcast %broadcast_in_dim3A_72 : f32 to vector<32x8xf32>
    %slice3A_74 = vector.extract_strided_slice %add3A_71 {offsets = [0, 0], sizes = [2016, 8], strides = [1, 1]} : vector<2048x8xf32> to vector<2016x8xf32>
    %concatenate3A_75 = tpu.concatenate %broadcast_in_dim3A_73, %slice3A_74 in 0 : vector<32x8xf32>, vector<2016x8xf32> -> vector<2048x8xf32>
    %add3A_76 = arith.addf %add3A_71, %concatenate3A_75 : vector<2048x8xf32>
    %broadcast_in_dim3A_77 = arith.constant 0.000000e+00 : f32
    %broadcast_in_dim3A_78 = vector.broadcast %broadcast_in_dim3A_77 : f32 to vector<64x8xf32>
    %slice3A_79 = vector.extract_strided_slice %add3A_76 {offsets = [0, 0], sizes = [1984, 8], strides = [1, 1]} : vector<2048x8xf32> to vector<1984x8xf32>
    %concatenate3A_80 = tpu.concatenate %broadcast_in_dim3A_78, %slice3A_79 in 0 : vector<64x8xf32>, vector<1984x8xf32> -> vector<2048x8xf32>
    %add3A_81 = arith.addf %add3A_76, %concatenate3A_80 : vector<2048x8xf32>
    %broadcast_in_dim3A_82 = arith.constant 0.000000e+00 : f32
    %broadcast_in_dim3A_83 = vector.broadcast %broadcast_in_dim3A_82 : f32 to vector<128x8xf32>
    %slice3A_84 = vector.extract_strided_slice %add3A_81 {offsets = [0, 0], sizes = [1920, 8], strides = [1, 1]} : vector<2048x8xf32> to vector<1920x8xf32>
    %concatenate3A_85 = tpu.concatenate %broadcast_in_dim3A_83, %slice3A_84 in 0 : vector<128x8xf32>, vector<1920x8xf32> -> vector<2048x8xf32>
    %add3A_86 = arith.addf %add3A_81, %concatenate3A_85 : vector<2048x8xf32>
    %broadcast_in_dim3A_87 = arith.constant 0.000000e+00 : f32
    %broadcast_in_dim3A_88 = vector.broadcast %broadcast_in_dim3A_87 : f32 to vector<256x8xf32>
    %slice3A_89 = vector.extract_strided_slice %add3A_86 {offsets = [0, 0], sizes = [1792, 8], strides = [1, 1]} : vector<2048x8xf32> to vector<1792x8xf32>
    %concatenate3A_90 = tpu.concatenate %broadcast_in_dim3A_88, %slice3A_89 in 0 : vector<256x8xf32>, vector<1792x8xf32> -> vector<2048x8xf32>
    %add3A_91 = arith.addf %add3A_86, %concatenate3A_90 : vector<2048x8xf32>
    %broadcast_in_dim3A_92 = arith.constant 0.000000e+00 : f32
    %broadcast_in_dim3A_93 = vector.broadcast %broadcast_in_dim3A_92 : f32 to vector<512x8xf32>
    %slice3A_94 = vector.extract_strided_slice %add3A_91 {offsets = [0, 0], sizes = [1536, 8], strides = [1, 1]} : vector<2048x8xf32> to vector<1536x8xf32>
    %concatenate3A_95 = tpu.concatenate %broadcast_in_dim3A_93, %slice3A_94 in 0 : vector<512x8xf32>, vector<1536x8xf32> -> vector<2048x8xf32>
    %add3A_96 = arith.addf %add3A_91, %concatenate3A_95 : vector<2048x8xf32>
    %broadcast_in_dim3A_97 = arith.constant 0.000000e+00 : f32
    %broadcast_in_dim3A_98 = vector.broadcast %broadcast_in_dim3A_97 : f32 to vector<1024x8xf32>
    %slice3A_99 = vector.extract_strided_slice %add3A_96 {offsets = [0, 0], sizes = [1024, 8], strides = [1, 1]} : vector<2048x8xf32> to vector<1024x8xf32>
    %concatenate3A_100 = tpu.concatenate %broadcast_in_dim3A_98, %slice3A_99 in 0 : vector<1024x8xf32>, vector<1024x8xf32> -> vector<2048x8xf32>
    %add3A_101 = arith.addf %add3A_96, %concatenate3A_100 : vector<2048x8xf32>
    %sub3A_102 = arith.subf %add3A_101, %add3A_47 : vector<2048x8xf32>
    %slice3A_103 = vector.extract_strided_slice %add3A_101 {offsets = [2047, 0], sizes = [1, 8], strides = [1, 1]} : vector<2048x8xf32> to vector<1x8xf32>
    %convert_element_type3A_104 = arith.fptosi %slice3A_103 : vector<1x8xf32> to vector<1x8xi32>
    %add3A_105 = arith.constant 511 : i32
    %add3A_106 = vector.broadcast %add3A_105 : i32 to vector<1x8xi32>
    %add3A_107 = arith.addi %convert_element_type3A_104, %add3A_106 : vector<1x8xi32>
    %shift_right_arithmetic3A = arith.constant 9 : i32
    %shift_right_arithmetic3A_108 = vector.broadcast %shift_right_arithmetic3A : i32 to vector<1x8xi32>
    %shift_right_arithmetic3A_109 = arith.shrsi %add3A_107, %shift_right_arithmetic3A_108 : vector<1x8xi32>
    %shift_left3A = arith.constant 9 : i32
    %shift_left3A_110 = vector.broadcast %shift_left3A : i32 to vector<1x8xi32>
    %shift_left3A_111 = arith.shli %shift_right_arithmetic3A_109, %shift_left3A_110 : vector<1x8xi32>
    %convert_element_type3A_112 = arith.sitofp %shift_left3A_111 : vector<1x8xi32> to vector<1x8xf32>
    %broadcast_in_dim3A_113 = arith.constant 0.000000e+00 : f32
    %broadcast_in_dim3A_114 = vector.broadcast %broadcast_in_dim3A_113 : f32 to vector<1x1xf32>
    %slice3A_115 = vector.extract_strided_slice %convert_element_type3A_112 {offsets = [0, 0], sizes = [1, 7], strides = [1, 1]} : vector<1x8xf32> to vector<1x7xf32>
    %concatenate3A_116 = tpu.concatenate %broadcast_in_dim3A_114, %slice3A_115 in 1 : vector<1x1xf32>, vector<1x7xf32> -> vector<1x8xf32>
    %add3A_117 = arith.addf %convert_element_type3A_112, %concatenate3A_116 : vector<1x8xf32>
    %broadcast_in_dim3A_118 = arith.constant 0.000000e+00 : f32
    %broadcast_in_dim3A_119 = vector.broadcast %broadcast_in_dim3A_118 : f32 to vector<1x2xf32>
    %slice3A_120 = vector.extract_strided_slice %add3A_117 {offsets = [0, 0], sizes = [1, 6], strides = [1, 1]} : vector<1x8xf32> to vector<1x6xf32>
    %concatenate3A_121 = tpu.concatenate %broadcast_in_dim3A_119, %slice3A_120 in 1 : vector<1x2xf32>, vector<1x6xf32> -> vector<1x8xf32>
    %add3A_122 = arith.addf %add3A_117, %concatenate3A_121 : vector<1x8xf32>
    %broadcast_in_dim3A_123 = arith.constant 0.000000e+00 : f32
    %broadcast_in_dim3A_124 = vector.broadcast %broadcast_in_dim3A_123 : f32 to vector<1x4xf32>
    %slice3A_125 = vector.extract_strided_slice %add3A_122 {offsets = [0, 0], sizes = [1, 4], strides = [1, 1]} : vector<1x8xf32> to vector<1x4xf32>
    %concatenate3A_126 = tpu.concatenate %broadcast_in_dim3A_124, %slice3A_125 in 1 : vector<1x4xf32>, vector<1x4xf32> -> vector<1x8xf32>
    %add3A_127 = arith.addf %add3A_122, %concatenate3A_126 : vector<1x8xf32>
    %sub3A_128 = arith.subf %add3A_127, %convert_element_type3A_112 : vector<1x8xf32>
    %slice3A_129 = vector.extract_strided_slice %add3A_127 {offsets = [0, 7], sizes = [1, 1], strides = [1, 1]} : vector<1x8xf32> to vector<1x1xf32>
    %add3A_130 = vector.broadcast %sub3A_128 : vector<1x8xf32> to vector<2048x8xf32>
    %add3A_131 = arith.addf %sub3A_102, %add3A_130 : vector<2048x8xf32>
    %mul3A = arith.mulf %convert_element_type3A_42, %add3A_131 : vector<2048x8xf32>
    %reduce_sum3A_132 = arith.constant dense<0.000000e+00> : vector<2048xf32>
    %reduce_sum3A_133 = vector.multi_reduction <add>, %mul3A, %reduce_sum3A_132 [1] : vector<2048x8xf32> to vector<2048xf32>
    %broadcast_in_dim3A_134 = vector.shape_cast %reduce_sum3A_133 : vector<2048xf32> to vector<2048x1xf32>
    %convert_element_type3A_135 = arith.fptosi %broadcast_in_dim3A_134 : vector<2048x1xf32> to vector<2048x1xi32>
    %swap3A_136 = arith.constant 0 : index
    %swap3A_137 = arith.constant 0 : index
    %swap3A_138 = vector.load %arg4[%swap3A_136, %swap3A_137] : memref<2048x1xi32, #tpu.memory_space<vmem>>, vector<2048x1xi32>
    tpu.vector_store %arg4[%swap3A_136, %swap3A_137], %convert_element_type3A_135 {strides = array<i32>} : memref<2048x1xi32, #tpu.memory_space<vmem>>, vector<2048x1xi32>,
    %mul3A_139 = arith.mulf %convert_element_type3A_46, %add3A_131 : vector<2048x8xf32>
    %reduce_sum3A_140 = arith.constant dense<0.000000e+00> : vector<2048xf32>
    %reduce_sum3A_141 = vector.multi_reduction <add>, %mul3A_139, %reduce_sum3A_140 [1] : vector<2048x8xf32> to vector<2048xf32>
    %broadcast_in_dim3A_142 = vector.shape_cast %reduce_sum3A_141 : vector<2048xf32> to vector<2048x1xf32>
    %convert_element_type3A_143 = arith.fptosi %broadcast_in_dim3A_142 : vector<2048x1xf32> to vector<2048x1xi32>
    %swap3A_144 = arith.constant 0 : index
    %swap3A_145 = arith.constant 0 : index
    %swap3A_146 = vector.load %arg5[%swap3A_144, %swap3A_145] : memref<2048x1xi32, #tpu.memory_space<vmem>>, vector<2048x1xi32>
    tpu.vector_store %arg5[%swap3A_144, %swap3A_145], %convert_element_type3A_143 {strides = array<i32>} : memref<2048x1xi32, #tpu.memory_space<vmem>>, vector<2048x1xi32>,
    %add3A_147 = arith.addf %sub3A_128, %convert_element_type3A_112 : vector<1x8xf32>
    %iota3A_148 = tpu.iota {dimensions = array<i32: 0>} : vector<16x1xi32>
    %convert_element_type3A_149 = arith.sitofp %iota3A_148 : vector<16x1xi32> to vector<16x1xf32>
    %mul3A_150 = arith.constant 5.120000e+02 : f32
    %mul3A_151 = vector.broadcast %mul3A_150 : f32 to vector<16x1xf32>
    %mul3A_152 = arith.mulf %convert_element_type3A_149, %mul3A_151 : vector<16x1xf32>
    %ge3A = vector.broadcast %mul3A_152 : vector<16x1xf32> to vector<16x8xf32>
    %ge3A_153 = vector.broadcast %add3A_147 : vector<1x8xf32> to vector<16x8xf32>
    %ge3A_154 = arith.cmpf oge, %ge3A, %ge3A_153 : vector<16x8xf32>
    %convert_element_type3A_155 = arith.extui %ge3A_154 : vector<16x8xi1> to vector<16x8xi32>
    %convert_element_type3A_156 = arith.sitofp %convert_element_type3A_155 : vector<16x8xi32> to vector<16x8xf32>
    %reduce_sum3A_157 = arith.constant dense<0.000000e+00> : vector<16xf32>
    %reduce_sum3A_158 = vector.multi_reduction <add>, %convert_element_type3A_156, %reduce_sum3A_157 [1] : vector<16x8xf32> to vector<16xf32>
    %broadcast_in_dim3A_159 = vector.shape_cast %reduce_sum3A_158 : vector<16xf32> to vector<16x1xf32>
    %iota3A_160 = tpu.iota {dimensions = array<i32: 1>} : vector<1x8xi32>
    %convert_element_type3A_161 = arith.sitofp %iota3A_160 : vector<1x8xi32> to vector<1x8xf32>
    %gt3A = arith.constant 0.000000e+00 : f32
    %gt3A_162 = vector.broadcast %gt3A : f32 to vector<1x8xf32>
    %gt3A_163 = arith.cmpf ogt, %convert_element_type3A_112, %gt3A_162 : vector<1x8xf32>
    %jit3A_164 = arith.constant 0.000000e+00 : f32
    %broadcast_in_dim3A_165 = vector.broadcast %jit3A_164 : f32 to vector<1x8xf32>
    %select_n3A_166 = arith.select %gt3A_163, %convert_element_type3A_161, %broadcast_in_dim3A_165 : vector<1x8xi1>, vector<1x8xf32>
    %reduce_max3A_167 = arith.constant dense<0xFF800000> : vector<1xf32>
    %reduce_max3A_168 = vector.multi_reduction <maximumf>, %select_n3A_166, %reduce_max3A_167 [1] : vector<1x8xf32> to vector<1xf32>
    %broadcast_in_dim3A_169 = vector.shape_cast %reduce_max3A_168 : vector<1xf32> to vector<1x1xf32>
    %lt3A = vector.broadcast %slice3A_129 : vector<1x1xf32> to vector<16x1xf32>
    %lt3A_170 = arith.cmpf olt, %mul3A_152, %lt3A : vector<16x1xf32>
    %broadcast_in_dim3A_171 = vector.shape_cast %broadcast_in_dim3A_169 : vector<1x1xf32> to vector<1x1xf32>
    %broadcast_in_dim3A_172 = vector.broadcast %broadcast_in_dim3A_171 : vector<1x1xf32> to vector<16x1xf32>
    %select_n3A_173 = arith.select %lt3A_170, %broadcast_in_dim3A_159, %broadcast_in_dim3A_172 : vector<16x1xi1>, vector<16x1xf32>
    %convert_element_type3A_174 = arith.fptosi %select_n3A_173 : vector<16x1xf32> to vector<16x1xi32>
    %swap3A_175 = arith.constant 0 : index
    %swap3A_176 = arith.constant 0 : index
    %swap3A_177 = vector.load %arg6[%swap3A_175, %swap3A_176] : memref<16x1xi32, #tpu.memory_space<vmem>>, vector<16x1xi32>
    tpu.vector_store %arg6[%swap3A_175, %swap3A_176], %convert_element_type3A_174 {strides = array<i32>} : memref<16x1xi32, #tpu.memory_space<vmem>>, vector<16x1xi32>,
    %convert_element_type3A_178 = arith.fptosi %slice3A_129 : vector<1x1xf32> to vector<1x1xi32>
    %shift_right_arithmetic3A_179 = arith.constant 9 : i32
    %shift_right_arithmetic3A_180 = vector.broadcast %shift_right_arithmetic3A_179 : i32 to vector<1x1xi32>
    %shift_right_arithmetic3A_181 = arith.shrsi %convert_element_type3A_178, %shift_right_arithmetic3A_180 : vector<1x1xi32>
    %swap3A_182 = arith.constant 0 : index
    %swap3A_183 = arith.constant 0 : index
    %swap3A_184 = vector.load %arg7[%swap3A_182, %swap3A_183] : memref<1x1xi32, #tpu.memory_space<vmem>>, vector<1x1xi32>
    tpu.vector_store %arg7[%swap3A_182, %swap3A_183], %shift_right_arithmetic3A_181 {strides = array<i32>} : memref<1x1xi32, #tpu.memory_space<vmem>>, vector<1x1xi32>,
    return
  }
}

module attributes {stable_mosaic.version = 14 : i64} {
  func.func @_gmm_body(%arg0: i32, %arg1: memref<16xi32, #tpu.memory_space<smem>>, %arg2: memref<1xi32, #tpu.memory_space<smem>>, %arg3: memref<512x1024xf32, #tpu.memory_space<vmem>>, %arg4: memref<1x2048x1024xf32, #tpu.memory_space<vmem>>, %arg5: memref<1x1x2048xf32, #tpu.memory_space<vmem>>, %arg6: memref<1x1024x2048xf32, #tpu.memory_space<vmem>>, %arg7: memref<1x1x1024xf32, #tpu.memory_space<vmem>>, %arg8: memref<512x1024xf32, #tpu.memory_space<vmem>>, %arg9: memref<2048x1024xbf16, #tpu.memory_space<vmem>>, %arg10: memref<1024x2048xbf16, #tpu.memory_space<vmem>>) attributes {dimension_semantics = [#tpu.dimension_semantics<arbitrary>], iteration_bounds = array<i64: 16>, scalar_prefetch = 2 : i64, scratch_operands = 2 : i64, tpu.core_type = #tpu.core_type<tc>, window_params = [{transform_indices = @transform_0, window_bounds = array<i64: 512, 1024>}, {transform_indices = @transform_1, window_bounds = array<i64: 1, 2048, 1024>}, {transform_indices = @transform_2, window_bounds = array<i64: 1, 1, 2048>}, {transform_indices = @transform_3, window_bounds = array<i64: 1, 1024, 2048>}, {transform_indices = @transform_4, window_bounds = array<i64: 1, 1, 1024>}, {transform_indices = @transform_5, window_bounds = array<i64: 512, 1024>}]} {
    %eq3A = arith.constant 0 : i32
    %eq3A_0 = arith.cmpi eq, %arg0, %eq3A : i32
    %get3A = arith.index_cast %arg0 : i32 to index
    %get3A_1 = memref.load %arg1[%get3A] : memref<16xi32, #tpu.memory_space<smem>>
    %sub3A = arith.constant 1 : i32
    %sub3A_2 = arith.subi %arg0, %sub3A : i32
    %max3A = arith.constant 0 : i32
    %max3A_3 = arith.maxsi %sub3A_2, %max3A : i32
    %get3A_4 = arith.index_cast %max3A_3 : i32 to index
    %get3A_5 = memref.load %arg1[%get3A_4] : memref<16xi32, #tpu.memory_space<smem>>
    %ne3A = arith.cmpi ne, %get3A_1, %get3A_5 : i32
    %or3A = arith.ori %eq3A_0, %ne3A : i1
    %get3A_6 = arith.constant 0 : index
    %get3A_7 = memref.load %arg2[%get3A_6] : memref<1xi32, #tpu.memory_space<smem>>
    %lt3A = arith.cmpi slt, %arg0, %get3A_7 : i32
    %and3A = arith.andi %lt3A, %or3A : i1
    %convert_element_type3A = arith.extui %and3A : i1 to i32
    %cond3A = arith.constant 0 : i32
    %cond3A_8 = arith.cmpi ne, %convert_element_type3A, %cond3A : i32
    scf.if %cond3A_8 {
      %get3A_15 = arith.constant 0 : index
      %get3A_16 = arith.constant 0 : index
      %get3A_17 = arith.constant 0 : index
      %get3A_18 = vector.load %arg4[%get3A_15, %get3A_16, %get3A_17] : memref<1x2048x1024xf32, #tpu.memory_space<vmem>>, vector<1x2048x1024xf32>
      %get3A_19 = vector.shape_cast %get3A_18 : vector<1x2048x1024xf32> to vector<2048x1024xf32>
      %convert_element_type3A_20 = arith.truncf %get3A_19 : vector<2048x1024xf32> to vector<2048x1024xbf16>
      %swap3A = arith.constant 0 : index
      %swap3A_21 = arith.constant 0 : index
      %swap3A_22 = vector.load %arg9[%swap3A, %swap3A_21] : memref<2048x1024xbf16, #tpu.memory_space<vmem>>, vector<2048x1024xbf16>
      tpu.vector_store %arg9[%swap3A, %swap3A_21], %convert_element_type3A_20 {strides = array<i32>} : memref<2048x1024xbf16, #tpu.memory_space<vmem>>, vector<2048x1024xbf16>,
      %get3A_23 = arith.constant 0 : index
      %get3A_24 = arith.constant 0 : index
      %get3A_25 = arith.constant 0 : index
      %get3A_26 = vector.load %arg6[%get3A_23, %get3A_24, %get3A_25] : memref<1x1024x2048xf32, #tpu.memory_space<vmem>>, vector<1x1024x2048xf32>
      %get3A_27 = vector.shape_cast %get3A_26 : vector<1x1024x2048xf32> to vector<1024x2048xf32>
      %convert_element_type3A_28 = arith.truncf %get3A_27 : vector<1024x2048xf32> to vector<1024x2048xbf16>
      %swap3A_29 = arith.constant 0 : index
      %swap3A_30 = arith.constant 0 : index
      %swap3A_31 = vector.load %arg10[%swap3A_29, %swap3A_30] : memref<1024x2048xbf16, #tpu.memory_space<vmem>>, vector<1024x2048xbf16>
      tpu.vector_store %arg10[%swap3A_29, %swap3A_30], %convert_element_type3A_28 {strides = array<i32>} : memref<1024x2048xbf16, #tpu.memory_space<vmem>>, vector<1024x2048xbf16>,
    } else {
    }
    %get3A_9 = arith.constant 0 : index
    %get3A_10 = memref.load %arg2[%get3A_9] : memref<1xi32, #tpu.memory_space<smem>>
    %lt3A_11 = arith.cmpi slt, %arg0, %get3A_10 : i32
    %convert_element_type3A_12 = arith.extui %lt3A_11 : i1 to i32
    %cond3A_13 = arith.constant 0 : i32
    %cond3A_14 = arith.cmpi ne, %convert_element_type3A_12, %cond3A_13 : i32
    scf.if %cond3A_14 {
      %get3A_15 = arith.constant 0 : index
      %get3A_16 = arith.constant 0 : index
      %get3A_17 = vector.load %arg3[%get3A_15, %get3A_16] : memref<512x1024xf32, #tpu.memory_space<vmem>>, vector<512x1024xf32>
      %convert_element_type3A_18 = arith.truncf %get3A_17 : vector<512x1024xf32> to vector<512x1024xbf16>
      %get3A_19 = arith.constant 0 : index
      %get3A_20 = arith.constant 0 : index
      %get3A_21 = vector.load %arg9[%get3A_19, %get3A_20] : memref<2048x1024xbf16, #tpu.memory_space<vmem>>, vector<2048x1024xbf16>
      %dot_general3A = arith.constant dense<0.000000e+00> : vector<512x2048xf32>
      %dot_general3A_22 = tpu.matmul %convert_element_type3A_18, %get3A_21, %dot_general3A {dimension_numbers = #tpu.dot_dimension_numbers<[1], [1], [0], [0], [0, 0, 1, 0], [], []>, transpose_lhs_hint = false} : vector<512x1024xbf16>, vector<2048x1024xbf16>, vector<512x2048xf32> -> vector<512x2048xf32>
      %get3A_23 = arith.constant 0 : index
      %get3A_24 = arith.constant 0 : index
      %get3A_25 = arith.constant 0 : index
      %get3A_26 = vector.load %arg5[%get3A_23, %get3A_24, %get3A_25] : memref<1x1x2048xf32, #tpu.memory_space<vmem>>, vector<1x1x2048xf32>
      %get3A_27 = vector.shape_cast %get3A_26 : vector<1x1x2048xf32> to vector<1x2048xf32>
      %add3A = vector.broadcast %get3A_27 : vector<1x2048xf32> to vector<512x2048xf32>
      %add3A_28 = arith.addf %dot_general3A_22, %add3A : vector<512x2048xf32>
      %max3A_29 = arith.constant 0.000000e+00 : f32
      %max3A_30 = vector.broadcast %max3A_29 : f32 to vector<512x2048xf32>
      %max3A_31 = arith.maximumf %add3A_28, %max3A_30 : vector<512x2048xf32>
      %convert_element_type3A_32 = arith.truncf %max3A_31 : vector<512x2048xf32> to vector<512x2048xbf16>
      %get3A_33 = arith.constant 0 : index
      %get3A_34 = arith.constant 0 : index
      %get3A_35 = vector.load %arg10[%get3A_33, %get3A_34] : memref<1024x2048xbf16, #tpu.memory_space<vmem>>, vector<1024x2048xbf16>
      %dot_general3A_36 = arith.constant dense<0.000000e+00> : vector<512x1024xf32>
      %dot_general3A_37 = tpu.matmul %convert_element_type3A_32, %get3A_35, %dot_general3A_36 {dimension_numbers = #tpu.dot_dimension_numbers<[1], [1], [0], [0], [0, 0, 1, 0], [], []>, transpose_lhs_hint = false} : vector<512x2048xbf16>, vector<1024x2048xbf16>, vector<512x1024xf32> -> vector<512x1024xf32>
      %get3A_38 = arith.constant 0 : index
      %get3A_39 = arith.constant 0 : index
      %get3A_40 = arith.constant 0 : index
      %get3A_41 = vector.load %arg7[%get3A_38, %get3A_39, %get3A_40] : memref<1x1x1024xf32, #tpu.memory_space<vmem>>, vector<1x1x1024xf32>
      %get3A_42 = vector.shape_cast %get3A_41 : vector<1x1x1024xf32> to vector<1x1024xf32>
      %add3A_43 = vector.broadcast %get3A_42 : vector<1x1024xf32> to vector<512x1024xf32>
      %add3A_44 = arith.addf %dot_general3A_37, %add3A_43 : vector<512x1024xf32>
      %swap3A = arith.constant 0 : index
      %swap3A_45 = arith.constant 0 : index
      %swap3A_46 = vector.load %arg8[%swap3A, %swap3A_45] : memref<512x1024xf32, #tpu.memory_space<vmem>>, vector<512x1024xf32>
      tpu.vector_store %arg8[%swap3A, %swap3A_45], %add3A_44 {strides = array<i32>} : memref<512x1024xf32, #tpu.memory_space<vmem>>, vector<512x1024xf32>,
    } else {
    }
    return
  }
  func.func @transform_0(%arg0: i32, %arg1: memref<16xi32, #tpu.memory_space<smem>>, %arg2: memref<1xi32, #tpu.memory_space<smem>>) -> (i32, i32) {
    %c0_i32 = arith.constant 0 : i32
    %c0_i32_0 = arith.constant 0 : i32
    return %arg0, %c0_i32 : i32, i32
  }
  func.func @transform_1(%arg0: i32, %arg1: memref<16xi32, #tpu.memory_space<smem>>, %arg2: memref<1xi32, #tpu.memory_space<smem>>) -> (i32, i32, i32) {
    %get3A = arith.index_cast %arg0 : i32 to index
    %get3A_0 = memref.load %arg1[%get3A] : memref<16xi32, #tpu.memory_space<smem>>
    %c0_i32 = arith.constant 0 : i32
    %c0_i32_1 = arith.constant 0 : i32
    %c0_i32_2 = arith.constant 0 : i32
    return %get3A_0, %c0_i32, %c0_i32_1 : i32, i32, i32
  }
  func.func @transform_2(%arg0: i32, %arg1: memref<16xi32, #tpu.memory_space<smem>>, %arg2: memref<1xi32, #tpu.memory_space<smem>>) -> (i32, i32, i32) {
    %get3A = arith.index_cast %arg0 : i32 to index
    %get3A_0 = memref.load %arg1[%get3A] : memref<16xi32, #tpu.memory_space<smem>>
    %c0_i32 = arith.constant 0 : i32
    %c0_i32_1 = arith.constant 0 : i32
    %c0_i32_2 = arith.constant 0 : i32
    return %get3A_0, %c0_i32, %c0_i32_1 : i32, i32, i32
  }
  func.func @transform_3(%arg0: i32, %arg1: memref<16xi32, #tpu.memory_space<smem>>, %arg2: memref<1xi32, #tpu.memory_space<smem>>) -> (i32, i32, i32) {
    %get3A = arith.index_cast %arg0 : i32 to index
    %get3A_0 = memref.load %arg1[%get3A] : memref<16xi32, #tpu.memory_space<smem>>
    %c0_i32 = arith.constant 0 : i32
    %c0_i32_1 = arith.constant 0 : i32
    %c0_i32_2 = arith.constant 0 : i32
    return %get3A_0, %c0_i32, %c0_i32_1 : i32, i32, i32
  }
  func.func @transform_4(%arg0: i32, %arg1: memref<16xi32, #tpu.memory_space<smem>>, %arg2: memref<1xi32, #tpu.memory_space<smem>>) -> (i32, i32, i32) {
    %get3A = arith.index_cast %arg0 : i32 to index
    %get3A_0 = memref.load %arg1[%get3A] : memref<16xi32, #tpu.memory_space<smem>>
    %c0_i32 = arith.constant 0 : i32
    %c0_i32_1 = arith.constant 0 : i32
    %c0_i32_2 = arith.constant 0 : i32
    return %get3A_0, %c0_i32, %c0_i32_1 : i32, i32, i32
  }
  func.func @transform_5(%arg0: i32, %arg1: memref<16xi32, #tpu.memory_space<smem>>, %arg2: memref<1xi32, #tpu.memory_space<smem>>) -> (i32, i32) {
    %c0_i32 = arith.constant 0 : i32
    %c0_i32_0 = arith.constant 0 : i32
    return %arg0, %c0_i32 : i32, i32
  }
}

module attributes {stable_mosaic.version = 14 : i64} {
  func.func @_combine_body(%arg0: i32, %arg1: memref<256x1024xf32, #tpu.memory_space<vmem>>, %arg2: memref<256x1024xf32, #tpu.memory_space<vmem>>, %arg3: memref<256x1xf32, #tpu.memory_space<vmem>>, %arg4: memref<256x1xf32, #tpu.memory_space<vmem>>, %arg5: memref<256x1024xf32, #tpu.memory_space<vmem>>) attributes {dimension_semantics = [#tpu.dimension_semantics<arbitrary>], iteration_bounds = array<i64: 8>, scalar_prefetch = 0 : i64, scratch_operands = 0 : i64, tpu.core_type = #tpu.core_type<tc>, window_params = [{transform_indices = @transform_0, window_bounds = array<i64: 256, 1024>}, {transform_indices = @transform_1, window_bounds = array<i64: 256, 1024>}, {transform_indices = @transform_2, window_bounds = array<i64: 256, 1>}, {transform_indices = @transform_3, window_bounds = array<i64: 256, 1>}, {transform_indices = @transform_4, window_bounds = array<i64: 256, 1024>}]} {
    %get3A = arith.constant 0 : index
    %get3A_0 = arith.constant 0 : index
    %get3A_1 = vector.load %arg3[%get3A, %get3A_0] : memref<256x1xf32, #tpu.memory_space<vmem>>, vector<256x1xf32>
    %get3A_2 = arith.constant 0 : index
    %get3A_3 = arith.constant 0 : index
    %get3A_4 = vector.load %arg1[%get3A_2, %get3A_3] : memref<256x1024xf32, #tpu.memory_space<vmem>>, vector<256x1024xf32>
    %mul3A = vector.broadcast %get3A_1 : vector<256x1xf32> to vector<256x1024xf32>
    %mul3A_5 = arith.mulf %mul3A, %get3A_4 : vector<256x1024xf32>
    %get3A_6 = arith.constant 0 : index
    %get3A_7 = arith.constant 0 : index
    %get3A_8 = vector.load %arg4[%get3A_6, %get3A_7] : memref<256x1xf32, #tpu.memory_space<vmem>>, vector<256x1xf32>
    %get3A_9 = arith.constant 0 : index
    %get3A_10 = arith.constant 0 : index
    %get3A_11 = vector.load %arg2[%get3A_9, %get3A_10] : memref<256x1024xf32, #tpu.memory_space<vmem>>, vector<256x1024xf32>
    %mul3A_12 = vector.broadcast %get3A_8 : vector<256x1xf32> to vector<256x1024xf32>
    %mul3A_13 = arith.mulf %mul3A_12, %get3A_11 : vector<256x1024xf32>
    %add3A = arith.addf %mul3A_5, %mul3A_13 : vector<256x1024xf32>
    %swap3A = arith.constant 0 : index
    %swap3A_14 = arith.constant 0 : index
    %swap3A_15 = vector.load %arg5[%swap3A, %swap3A_14] : memref<256x1024xf32, #tpu.memory_space<vmem>>, vector<256x1024xf32>
    tpu.vector_store %arg5[%swap3A, %swap3A_14], %add3A {strides = array<i32>} : memref<256x1024xf32, #tpu.memory_space<vmem>>, vector<256x1024xf32>,
    return
  }
  func.func @transform_0(%arg0: i32) -> (i32, i32) {
    %c0_i32 = arith.constant 0 : i32
    %c0_i32_0 = arith.constant 0 : i32
    return %arg0, %c0_i32 : i32, i32
  }
  func.func @transform_1(%arg0: i32) -> (i32, i32) {
    %c0_i32 = arith.constant 0 : i32
    %c0_i32_0 = arith.constant 0 : i32
    return %arg0, %c0_i32 : i32, i32
  }
  func.func @transform_2(%arg0: i32) -> (i32, i32) {
    %c0_i32 = arith.constant 0 : i32
    %c0_i32_0 = arith.constant 0 : i32
    return %arg0, %c0_i32 : i32, i32
  }
  func.func @transform_3(%arg0: i32) -> (i32, i32) {
    %c0_i32 = arith.constant 0 : i32
    %c0_i32_0 = arith.constant 0 : i32
    return %arg0, %c0_i32 : i32, i32
  }
  func.func @transform_4(%arg0: i32) -> (i32, i32) {
    %c0_i32 = arith.constant 0 : i32
    %c0_i32_0 = arith.constant 0 : i32
    return %arg0, %c0_i32 : i32, i32
  }
}

</mosaic_0001>

<sc_bundles>
// kernel: kernel.10.cloned.1.call-start
scs
__scs_entry_jumppad:
0x0: {  	(pc) =	sbr.rel $0x88, $3  }
0x1: {  	(tag) =	ssettag $0x0;
	lr =	simm.s32 $0x1  }
0x2: {  	[smem:$0x3F9A] =	sst lr;
	_ =	strace $0xD0000000  }
0x3: {  	_ = 	snop  }
0x4: {  	_ = 	snop  }
0x5: {  	_ = 	snop  }
0x6: {  	_ = 	snop  }
0x7: {  	_ = 	snop  }
__scs_overlays_trampoline_lowered:
0x8: {  	[smem:$0x3FA9] =	sst s0  }
0x9: {  	[smem:$0x3FAA] =	sst s1  }
0xa: {  	[smem:$0x3FAB] =	sst s2  }
0xb: {  	[smem:$0x3FAC] =	sst s3  }
0xc: {  	[smem:$0x3FAD] =	sst s4  }
0xd: {  	[smem:$0x3FAE] =	sst s5  }
0xe: {  	[smem:$0x3FAF] =	sst s6  }
0xf: {  	[smem:$0x3FB0] =	sst s7  }
0x10: {  	[smem:$0x3FB1] =	sst s8  }
0x11: {  	[smem:$0x3FB2] =	sst s9;
	s0 =	simm.s32 @!p0 $0x0  }
0x12: {  	s1 =	sld [smem:$0x3F98];
	s0 =	simm.s32 @p0 $0x1  }
0x13: {  	[smem:$0x3FB3] =	sst s0;
	s0 =	simm.s32 @!p1 $0x0  }
0x14: {  	s2 =	sld [smem:$0x3F97];
	s0 =	simm.s32 @p1 $0x1  }
0x15: {  	[smem:$0x3FB4] =	sst s0;
	s0 =	simm.s32 @!p2 $0x0  }
0x16: {  	s3 =	sld [smem:$0x3FDB];
	s0 =	simm.s32 @p2 $0x1  }
0x17: {  	s4 =	simm.s32 $0x1BF5;
	[smem:$0x3FB6] =	sst s0  }
0x18: {  	s0 =	sld [smem:$0x3F99];
	_ =	swait.ge [sflag:s4], $0x0  }
0x19: {  	s7 =	sld [smem:$0x3F9A]  }
0x1a: {  	s8 =	sadd.s32 $0xFFFFE003, lr  }
0x1b: {  	s9 =	sadd.s32 $0xFFFFFEF7, lr;
	s5 =	simm.s32 $0xFFFFFFFF;
	p2 =	slt.u32 s8, $0xFFFFF086  }
0x1c: {  	p1 =	slt.u32 s9, $0xF7A;
	s5 =	simm.s32 @!p2 $0x0  }
0x1d: {  	s5 =	simm.s32 @p1 $0x1;
	p0 =	seq.s32 s7, s2  }
0x1e: {  	s7 =	smul.u32 @!p0 $0xF7A, s2;
	p2 =	seq.s32 @!p0 s5, $0x0  }
0x1f: {  	s9 =	smul.u32 $0xF7A, s1;
	s8 =	simm.s32 @!p0 $0x1BF5;
	p2 =	por !p2, p0  }
0x20: {  	[sflag:s8] =	ssyncset.s32 @!p0 $0xFFFFF086;
	s6 =	sadd.s32 @!p0 s3, s7;
	s7 =	simm.s32 @!p0 $0x108  }
0x21: {  	s3 =	sadd.s32 s3, s9;
	s6 =	sadd.s32 @!p0 $0x88, s6;
	s7 =	simm.s32 @p2 $0x1082  }
0x22: {  	[simem:s7], [sflag:s8] =	dma.local @!p0 [hbm:s6], $0xF7A  }
0x23: {  	s9 =	sor.u32 $0xD0000000, s2;
	s6 =	simm.s32 $0x108;
	_ =	swait.ge @!p0 [sflag:s8], $0x0  }
0x24: {  	s3 =	sadd.s32 $0x88, s3;
	s6 =	simm.s32 @!p1 $0x1082;
	[sflag:s4] =	ssyncset.s32 $0xFFFFF086  }
0x25: {  	[simem:s6], [sflag:s4] =	dma.local [hbm:s3], $0xF7A  }
0x26: {  	[smem:$0x3F9A] =	sst s1;
	(tag) =	ssettag s2;
	_ =	strace s9  }
0x27: {  	s1 =	sld [smem:$0x3FAA]  }
0x28: {  	s2 =	sld [smem:$0x3FAB]  }
0x29: {  	s4 =	sld [smem:$0x3FAD]  }
0x2a: {  	p0 =	seq.s32 s5, $0x0;
	s5 =	sld [smem:$0x3FAE]  }
0x2b: {  	s6 =	sld [smem:$0x3FAF]  }
0x2c: {  	s7 =	sld [smem:$0x3FB0]  }
0x2d: {  	s3 =	simm.s32 $0x108;
	s8 =	sld [smem:$0x3FB1]  }
0x2e: {  	s3 =	simm.s32 @!p0 $0x1082;
	s9 =	sld [smem:$0x3FB2]  }
0x2f: {  	lr =	sadd.s32 s0, s3;
	s0 =	sld [smem:$0x3FA9]  }
0x30: {  	s3 =	sld [smem:$0x3FAC]  }
0x31: {  	[smem:$0x3FB5] =	sst s10  }
0x32: {  	s10 =	sld [smem:$0x3FB3];
	_ =	sdelay $0x3  }
0x33: {  	p0 =	seq.s32 s10, $0x1;
	s10 =	sld [smem:$0x3FB5];
	_ =	sdelay $0x3  }
0x34: {  	[smem:$0x3FB5] =	sst s10  }
0x35: {  	s10 =	sld [smem:$0x3FB4];
	_ =	sdelay $0x3  }
0x36: {  	p1 =	seq.s32 s10, $0x1;
	s10 =	sld [smem:$0x3FB5];
	_ =	sdelay $0x3  }
0x37: {  	[smem:$0x3FB5] =	sst s10  }
0x38: {  	s10 =	sld [smem:$0x3FB6]  }
0x39: {  	_ = 	snop;
	(pc) =	sbr.ind lr, $3  }
0x3a: {  	_ = 	snop  }
0x3b: {  	_ = 	snop  }
0x3c: {  	p2 =	seq.s32 s10, $0x1;
	s10 =	sld [smem:$0x3FB5]  }
0x3d: {  	_ =	shalt  }
0x3e: {  	_ =	shalt  }
0x3f: {  	_ =	shalt  }
0x40: {  	_ =	shalt  }
0x41: {  	_ =	shalt  }
0x42: {  	_ =	shalt  }
0x43: {  	_ =	shalt  }
0x44: {  	_ =	shalt  }
0x45: {  	_ =	shalt  }
0x46: {  	_ =	shalt  }
0x47: {  	_ =	shalt  }
0x48: {  	_ =	shalt  }
0x49: {  	_ =	shalt  }
0x4a: {  	_ =	shalt  }
0x4b: {  	_ =	shalt  }
0x4c: {  	_ =	shalt  }
0x4d: {  	_ =	shalt  }
0x4e: {  	_ =	shalt  }
0x4f: {  	_ =	shalt  }
0x50: {  	_ =	shalt  }
0x51: {  	_ =	shalt  }
0x52: {  	_ =	shalt  }
0x53: {  	_ =	shalt  }
0x54: {  	_ =	shalt  }
0x55: {  	_ =	shalt  }
0x56: {  	_ =	shalt  }
0x57: {  	_ =	shalt  }
0x58: {  	_ =	shalt  }
0x59: {  	_ =	shalt  }
0x5a: {  	_ =	shalt  }
0x5b: {  	_ =	shalt  }
0x5c: {  	_ =	shalt  }
0x5d: {  	_ =	shalt  }
0x5e: {  	_ =	shalt  }
0x5f: {  	_ =	shalt  }
0x60: {  	_ =	shalt  }
0x61: {  	_ =	shalt  }
0x62: {  	_ =	shalt  }
0x63: {  	_ =	shalt  }
0x64: {  	_ =	shalt  }
0x65: {  	_ =	shalt  }
0x66: {  	_ =	shalt  }
0x67: {  	_ =	shalt  }
0x68: {  	_ =	shalt  }
0x69: {  	_ =	shalt  }
0x6a: {  	_ =	shalt  }
0x6b: {  	_ =	shalt  }
0x6c: {  	_ =	shalt  }
0x6d: {  	_ =	shalt  }
0x6e: {  	_ =	shalt  }
0x6f: {  	_ =	shalt  }
0x70: {  	_ =	shalt  }
0x71: {  	_ =	shalt  }
0x72: {  	_ =	shalt  }
0x73: {  	_ =	shalt  }
0x74: {  	_ =	shalt  }
0x75: {  	_ =	shalt  }
0x76: {  	_ =	shalt  }
0x77: {  	_ =	shalt  }
0x78: {  	_ =	shalt  }
0x79: {  	_ =	shalt  }
0x7a: {  	_ =	shalt  }
0x7b: {  	_ =	shalt  }
0x7c: {  	_ =	shalt  }
0x7d: {  	_ =	shalt  }
0x7e: {  	_ =	shalt  }
0x7f: {  	_ =	shalt  }
0x80: {  	_ =	shalt  }
0x81: {  	_ =	shalt  }
0x82: {  	_ =	shalt  }
0x83: {  	_ =	shalt  }
0x84: {  	_ =	shalt  }
0x85: {  	_ =	shalt  }
0x86: {  	_ =	shalt  }
0x87: {  	_ =	shalt  }
.Lfunc_end0:
.L_simem_size_0:
called_computation.1_lowered:
.L_overlay_start_0:
0x88: {  	s2 =	sld [smem:$0x3FD9]  }
0x89: {  	s3 =	sld [smem:$0x3FFE];
	_ =	sdelay $0x1  }
0x8a: {  	s1 =	srdreg.scid  }
0x8b: {  	s0 =	sand.u32 $0x1, s1  }
0x8c: {  	s17 =	sshll.u32 s0, $0xA;
	s2 =	sadd.s32 s3, s2  }
0x8d: {  	s2 =	sadd.s32 s2, s17  }
0x8e: {  	[smem:$0x3FC1] =	sst s2  }
0x8f: {  	_ = 	snop  }
0x90: {  	s2 =	sld [smem:$0x3FD0];
	(tm) =	ssettm $0x1  }
0x91: {  	s18 =	sld [smem:$0x3FFB];
	_ =	sdelay $0x3  }
0x92: {  	_ =	strace s18  }
0x93: {  	s3 =	sld [smem:$0x3FFC];
	_ =	sdelay $0x3  }
0x94: {  	_ =	strace s3  }
0x95: {  	s3 =	sld [smem:$0x3FFD];
	_ =	sdelay $0x3  }
0x96: {  	_ =	strace s3  }
0x97: {  	_ =	strace $0x8FFFFFFF  }
0x98: {  	s19 =	sld [smem:$0x3FDB];
	_ =	sdelay $0x1  }
0x99: {  	s4 =	simm.s32 $_scs_section_size  }
0x9a: {  	s5 =	simm.s32 $_size__tile_overlayer_lowered;
	s6 =	simm.s32 $_tile_overlayer_lowered  }
0x9b: {  	s22 =	simm.s32 $0x1BFF;
	s21 =	sshll.u32 s6, $0x1;
	s3 =	sadd.s32 s4, s19  }
0x9c: {  	s7 =	simm.s32 $0x0;
	s20 =	sshll.u32 s5, $0x1;
	s5 =	sadd.s32 s21, s3  }
0x9d: {  	[timem:s7], [sflag:s22] =	dma.local [hbm:s5], s20  }
0x9e: {  	_ =	swait.ge [sflag:s22], s20  }
0x9f: {  	s4 =	ssub.s32 $0x0, s20;
	[sflag:s22] =	ssyncset.done $0x0  }
0xa0: {  	[sflag:s22] =	ssyncadd.s32 s4;
	_ =	sdelay $0x1  }
0xa1: {  	s23 =	simm.s32 $0x1B8B  }
0xa2: {  	_ =	swait.ge [sflag:s23], $0x1  }
0xa3: {  	[sflag:s23] =	ssyncset.done $0x0  }
0xa4: {  	s25 =	simm.s32 $0x1B8E;
	s24 =	sld [smem:$0x3FFE];
	[sflag:s23] =	ssyncadd.s32 $0xFFFFFFFF  }
0xa5: {  	s26 =	simm.s32 $execute0_lowered;
	[smem:$0x3FD2] =	sst s25  }
0xa6: {  	s5 =	sshll.u32 s26, $0x1;
	_ =	strace $0x80000049;
	[dreg:$0x1] =	wrdreg $0xFFFFFFFF  }
0xa7: {  	s28 =	simm.s32 $_size_execute0_lowered;
	s3 =	sadd.s32 s3, s5;
	[dreg:$0x0] =	wrdreg $0x0  }
0xa8: {  	s5 =	sshll.u32 s28, $0x1;
	[dreg:$0x2] =	wrdreg s3  }
0xa9: {  	[dreg:$0x3] =	wrdreg s5  }
0xaa: {  	[dreg:$0x4] =	wrdreg $0xC0  }
0xab: {  	_ =	task [dreg:s7], $0x5FFFF  }
0xac: {  	[dreg:$0x1] =	wrdreg $0xFFFFFFFF  }
0xad: {  	[dreg:$0x0] =	wrdreg $0x60  }
0xae: {  	[dreg:$0x2] =	wrdreg s24  }
0xaf: {  	[dreg:$0x3] =	wrdreg s2  }
0xb0: {  	[dreg:$0x4] =	wrdreg $0x9  }
0xb1: {  	_ =	task.clear_ibuf [dreg:s7], $0x5FFFF;
	_ =	strace $0x90000049  }
0xb2: {  	s29 =	simm.s32 $0x9;
	_ =	strace $0x8000004B  }
0xb3: {  	_ =	swait.ge [sflag:s29], $0x1  }
0xb4: {  	[sflag:s29] =	ssyncadd.s32 $0xFFFFFFFF  }
0xb5: {  	_ =	strace $0x9000004B  }
0xb6: {  	_ =	sfence  }
0xb7: {  	s30 =	sld [smem:$0x0];
	_ =	sdelay $0x2  }
0xb8: {  	s31 =	sshll.u32 s1, $0xD;
	s1 =	sshrl.u32 s1, $0x2  }
0xb9: {  	s3 =	sand.u32 $0x4000, s31;
	s1 =	sadd.s32 s1, s30  }
0xba: {  	s0 =	sor.u32 s3, s0;
	s1 =	sshll.u32 s1, $0x11  }
0xbb: {  	s0 =	sor.u32 s1, s0  }
0xbc: {  	s0 =	sadd.s32 $0x8F2B, s0  }
0xbd: {  	[sflag:s0] =	ssyncadd.remote.s32 $0x1  }
0xbe: {  	_ =	sfence.sel $0xFFFF  }
0xbf: {  	[dreg:$0x0] =	wrdreg $0xFFFFFFFF;
	(pc) =	sbr.abs _section_cstart, $3  }
0xc0: {  	[dreg:$0x1] =	wrdreg $0xFFFFFFFF  }
0xc1: {  	_ =	task.clear_ibuf [dreg:s7], $0x2FFFF;
	_ =	strace $0x9FFFFFFF  }
0xc2: {  	(tm) =	ssettm $0x7FFFFFFF  }
0xc3: {  	_ =	shalt  }
tec
execute0_lowered:
.L_overlay_start_1:
0x0: {  	(tag) =	ssettag $0x1  }
0x1: {  	s0 =	rddreg [dreg:$0x0]  }
0x2: {  	s1 =	rddreg [dreg:$0x1]  }
0x3: {  	s2 =	srdreg.scid;
	s5 =	stileid.u32;
	s26 =	simm.s32 $0x80  }
0x4: {  	s18 =	simm.s32 $0x1;
	s19 =	simm.s32 $0x2;
	s20 =	simm.s32 $0x3  }
0x5: {  	s21 =	simm.s32 $0x4;
	s28 =	simm.s32 $0x2100;
	s29 =	simm.s32 $0x2900  }
0x6: {  	s30 =	simm.s32 $0x3100;
	s31 =	simm.s32 $0x3900;
	s10 =	simm.s32 $0x5100  }
0x7: {  	s11 =	simm.s32 $0x5900;
	s12 =	simm.s32 $0x6100;
	s13 =	simm.s32 $0x6900  }
0x8: {  	s14 =	simm.s32 $0x7100;
	s15 =	simm.s32 $0x7900;
	s16 =	simm.s32 $0x8900  }
0x9: {  	s17 =	simm.s32 $0x9100;
	s4 =	sand.u32 $0x1, s2;
	s2 =	simm.s32 $0x0  }
0xa: {  	s7 =	sadd.s32 $0x9800, s0;
	s3 =	sshll.u32 s4, $0x4;
	[smem:$0x7FF] =	sst s2  }
0xb: {  	s4 =	ssub.s32 $0x2, s4;
	s5 =	sor.u32 s5, s3;
	_ =	strace $0x8000004A  }
0xc: {  	s3 =	sadd.s32 $0x109E00, s0;
	s8 =	sshrl.u32 s4, $0x1;
	[dreg:$0x9] =	wrdreg s26  }
0xd: {  	s26 =	simm.s32 $0x1900;
	s6 =	sshll.u32 s5, $0x4;
	s5 =	sshll.u32 s5, $0xD  }
0xe: {  	s8 =	ssub.s32 s4, s8;
	s4 =	sadd.s32 $0x109F00, s0;
	s22 =	sadd.s32 s1, s5  }
0xf: {  	s6 =	sadd.s32 s6, s0;
	s23 =	sadd.s32 s7, s5;
	[dreg:$0x5] =	wrdreg s22  }
0x10: {  	s24 =	sor.u32 $0x1000, s5;
	s9 =	sadd.s32 $0x9400, s6;
	[dreg:$0x6] =	wrdreg s23  }
0x11: {  	s5 =	sadd.s32 $0x10A000, s0;
	s6 =	sadd.s32 $0x9600, s6;
	[dreg:$0x3] =	wrdreg s9  }
0x12: {  	s1 =	sadd.s32 s1, s24;
	s25 =	sadd.s32 s7, s24;
	[dreg:$0x4] =	wrdreg s6  }
0x13: {  	v2 =	vlaneseq.u32;
	s7 =	smax.u32 s8, $0x1;
	s24 =	simm.s32 $0x1100;
	[dreg:$0x7] =	wrdreg s1  }
0x14: {  	vm0 =	vmmov $0xffff;
	v1 =	vshrl.u32 v2, $0x3;
	s8 =	simm.s32 $0x8100;
	s6 =	sadd.s32 $0x10A100, s0;
	[dreg:$0x8] =	wrdreg s25  }
0x15: {  	v0 =	vand.u32 $0x7, v2;
	v2 =	vor.u32 $0x8, v2;
	v1 =	vmul.u32 $0x8, v1;
	s25 =	simm.s32 $0x100;
	s1 =	simm.s32 $0x4900;
	s9 =	simm.s32 $0x9900  }
.LBB2_1:
0x16: {  	s22 =	rddreg [dreg:$0x3];
	s0 =	simm.s32 $0x5  }
0x17: {  	[tilespmem:s2], [sflag:$0x5] =	stream.linear.gather [hbm4b:s22+s2], $0x80, $0x38;
	[tilespmem:$0x10100] =	vst v63  }
0x18: {  	_ =	swait.ge [sflag:s0], $0x80  }
0x19: {  	s22 =	rddreg [dreg:$0x4];
	[sflag:s0] =	ssyncset.done $0x0  }
0x1a: {  	s23 =	rddreg [dreg:$0x9];
	[sflag:s0] =	ssyncadd.s32 $0xFFFFFF80  }
0x1b: {  	[tilespmem:s23], [sflag:$0x5] =	stream.linear.gather [hbm4b:s22+s2], $0x80, $0x38;
	[tilespmem:$0x10100] =	vst v63  }
0x1c: {  	_ =	swait.ge [sflag:s0], $0x80  }
0x1d: {  	[sflag:s0] =	ssyncset.done $0x0  }
0x1e: {  	[sflag:s0] =	ssyncadd.s32 $0xFFFFFF80  }
0x1f: {  	v3 =	vld [tilespmem:$0x0];
	_ =	sdelay $0x4  }
0x20: {  	v4 =	vshll.u32 v3, $0x3  }
0x21: {  	v3 =	vand.u32 $0x7, v3;
	v4 =	vand.u32 $0xFFFFFFC0, v4  }
0x22: {  	v3 =	vor.u32 v3, v4  }
0x23: {  	v4 =	vperm.xlane v3, v0;
	_ =	sdelay $0x1  }
0x24: {  	v4 =	vadd.s32 v1, v4;
	_ =	sdelay $0x4  }
0x25: {  	[tilespmem:s25], [sflag:$0x1] =	stream.indirect_vreg.gather [hbm4b:s3+s2], $0x80, v4, vm0, $0xb8;
	[tilespmem:$0x10100] =	vst v63  }
0x26: {  	s23 =	simm.s32 $0x900;
	v3 =	vperm.xlane v3, v2  }
0x27: {  	[tilespmem:s23], [sflag:$0x1] =	stream.indirect_vreg.gather [hbm4b:s4+s2], $0x80, v4, vm0, $0xb8;
	[tilespmem:$0x10100] =	vst v63  }
0x28: {  	v3 =	vadd.s32 v1, v3  }
0x29: {  	[tilespmem:s24], [sflag:$0x1] =	stream.indirect_vreg.gather [hbm4b:s5+s2], $0x80, v4, vm0, $0xb8;
	[tilespmem:$0x10100] =	vst v63  }
0x2a: {  	_ = 	snop  }
0x2b: {  	[tilespmem:s26], [sflag:$0x1] =	stream.indirect_vreg.gather [hbm4b:s6+s2], $0x80, v4, vm0, $0xb8;
	[tilespmem:$0x10100] =	vst v63  }
0x2c: {  	_ = 	snop  }
0x2d: {  	[tilespmem:s28], [sflag:$0x1] =	stream.indirect_vreg.gather [hbm4b:s3+s2], $0x80, v3, vm0, $0xb8;
	[tilespmem:$0x10100] =	vst v63  }
0x2e: {  	_ = 	snop  }
0x2f: {  	[tilespmem:s29], [sflag:$0x1] =	stream.indirect_vreg.gather [hbm4b:s4+s2], $0x80, v3, vm0, $0xb8;
	[tilespmem:$0x10100] =	vst v63  }
0x30: {  	_ = 	snop  }
0x31: {  	[tilespmem:s30], [sflag:$0x1] =	stream.indirect_vreg.gather [hbm4b:s5+s2], $0x80, v3, vm0, $0xb8;
	[tilespmem:$0x10100] =	vst v63  }
0x32: {  	_ = 	snop  }
0x33: {  	[tilespmem:s31], [sflag:$0x1] =	stream.indirect_vreg.gather [hbm4b:s6+s2], $0x80, v3, vm0, $0xb8;
	[tilespmem:$0x10100] =	vst v63  }
0x34: {  	v3 =	vld [tilespmem:$0x10];
	_ =	sdelay $0x4  }
0x35: {  	v57 =	vshll.u32 v3, $0x3  }
0x36: {  	v3 =	vand.u32 $0x7, v3;
	v4 =	vand.u32 $0xFFFFFFC0, v57  }
0x37: {  	v3 =	vor.u32 v3, v4  }
0x38: {  	v4 =	vperm.xlane v3, v0;
	_ =	sdelay $0x1  }
0x39: {  	v4 =	vadd.s32 v1, v4;
	_ =	sdelay $0x3  }
0x3a: {  	s0 =	simm.s32 $0x4100  }
0x3b: {  	[tilespmem:s0], [sflag:$0x1] =	stream.indirect_vreg.gather [hbm4b:s3+s2], $0x80, v4, vm0, $0xb8;
	[tilespmem:$0x10100] =	vst v63  }
0x3c: {  	v3 =	vperm.xlane v3, v2  }
0x3d: {  	[tilespmem:s1], [sflag:$0x1] =	stream.indirect_vreg.gather [hbm4b:s4+s2], $0x80, v4, vm0, $0xb8;
	[tilespmem:$0x10100] =	vst v63  }
0x3e: {  	v3 =	vadd.s32 v1, v3  }
0x3f: {  	[tilespmem:s10], [sflag:$0x1] =	stream.indirect_vreg.gather [hbm4b:s5+s2], $0x80, v4, vm0, $0xb8;
	[tilespmem:$0x10100] =	vst v63  }
0x40: {  	_ = 	snop  }
0x41: {  	[tilespmem:s11], [sflag:$0x1] =	stream.indirect_vreg.gather [hbm4b:s6+s2], $0x80, v4, vm0, $0xb8;
	[tilespmem:$0x10100] =	vst v63  }
0x42: {  	_ = 	snop  }
0x43: {  	[tilespmem:s12], [sflag:$0x1] =	stream.indirect_vreg.gather [hbm4b:s3+s2], $0x80, v3, vm0, $0xb8;
	[tilespmem:$0x10100] =	vst v63  }
0x44: {  	_ = 	snop  }
0x45: {  	[tilespmem:s13], [sflag:$0x1] =	stream.indirect_vreg.gather [hbm4b:s4+s2], $0x80, v3, vm0, $0xb8;
	[tilespmem:$0x10100] =	vst v63  }
0x46: {  	_ = 	snop  }
0x47: {  	[tilespmem:s14], [sflag:$0x1] =	stream.indirect_vreg.gather [hbm4b:s5+s2], $0x80, v3, vm0, $0xb8;
	[tilespmem:$0x10100] =	vst v63  }
0x48: {  	_ = 	snop  }
0x49: {  	[tilespmem:s15], [sflag:$0x1] =	stream.indirect_vreg.gather [hbm4b:s6+s2], $0x80, v3, vm0, $0xb8;
	[tilespmem:$0x10100] =	vst v63  }
0x4a: {  	v3 =	vld [tilespmem:$0x80];
	_ =	sdelay $0x4  }
0x4b: {  	v58 =	vshll.u32 v3, $0x3  }
0x4c: {  	v3 =	vand.u32 $0x7, v3;
	v4 =	vand.u32 $0xFFFFFFC0, v58  }
0x4d: {  	v3 =	vor.u32 v3, v4  }
0x4e: {  	v4 =	vperm.xlane v3, v0;
	_ =	sdelay $0x1  }
0x4f: {  	v4 =	vadd.s32 v1, v4;
	_ =	sdelay $0x4  }
0x50: {  	[tilespmem:s8], [sflag:$0x2] =	stream.indirect_vreg.gather [hbm4b:s3+s2], $0x80, v4, vm0, $0xb8;
	[tilespmem:$0x10100] =	vst v63  }
0x51: {  	v3 =	vperm.xlane v3, v2  }
0x52: {  	[tilespmem:s16], [sflag:$0x2] =	stream.indirect_vreg.gather [hbm4b:s4+s2], $0x80, v4, vm0, $0xb8;
	[tilespmem:$0x10100] =	vst v63  }
0x53: {  	v3 =	vadd.s32 v1, v3  }
0x54: {  	[tilespmem:s17], [sflag:$0x2] =	stream.indirect_vreg.gather [hbm4b:s5+s2], $0x80, v4, vm0, $0xb8;
	[tilespmem:$0x10100] =	vst v63  }
0x55: {  	_ = 	snop  }
0x56: {  	[tilespmem:s9], [sflag:$0x2] =	stream.indirect_vreg.gather [hbm4b:s6+s2], $0x80, v4, vm0, $0xb8;
	[tilespmem:$0x10100] =	vst v63  }
0x57: {  	s22 =	simm.s32 $0xA100  }
0x58: {  	[tilespmem:s22], [sflag:$0x2] =	stream.indirect_vreg.gather [hbm4b:s3+s2], $0x80, v3, vm0, $0xb8;
	[tilespmem:$0x10100] =	vst v63  }
0x59: {  	s22 =	simm.s32 $0xA900  }
0x5a: {  	[tilespmem:s22], [sflag:$0x2] =	stream.indirect_vreg.gather [hbm4b:s4+s2], $0x80, v3, vm0, $0xb8;
	[tilespmem:$0x10100] =	vst v63  }
0x5b: {  	s22 =	simm.s32 $0xB100  }
0x5c: {  	[tilespmem:s22], [sflag:$0x2] =	stream.indirect_vreg.gather [hbm4b:s5+s2], $0x80, v3, vm0, $0xb8;
	[tilespmem:$0x10100] =	vst v63  }
0x5d: {  	s22 =	simm.s32 $0xB900  }
0x5e: {  	[tilespmem:s22], [sflag:$0x2] =	stream.indirect_vreg.gather [hbm4b:s6+s2], $0x80, v3, vm0, $0xb8;
	[tilespmem:$0x10100] =	vst v63  }
0x5f: {  	v3 =	vld [tilespmem:$0x90];
	_ =	sdelay $0x4  }
0x60: {  	v59 =	vshll.u32 v3, $0x3  }
0x61: {  	v3 =	vand.u32 $0x7, v3;
	v4 =	vand.u32 $0xFFFFFFC0, v59  }
0x62: {  	v3 =	vor.u32 v3, v4  }
0x63: {  	v4 =	vperm.xlane v3, v0;
	_ =	sdelay $0x1  }
0x64: {  	v4 =	vadd.s32 v1, v4;
	_ =	sdelay $0x3  }
0x65: {  	s22 =	simm.s32 $0xC100  }
0x66: {  	[tilespmem:s22], [sflag:$0x2] =	stream.indirect_vreg.gather [hbm4b:s3+s2], $0x80, v4, vm0, $0xb8;
	[tilespmem:$0x10100] =	vst v63  }
0x67: {  	v3 =	vperm.xlane v3, v2;
	s22 =	simm.s32 $0xC900  }
0x68: {  	[tilespmem:s22], [sflag:$0x2] =	stream.indirect_vreg.gather [hbm4b:s4+s2], $0x80, v4, vm0, $0xb8;
	[tilespmem:$0x10100] =	vst v63  }
0x69: {  	v3 =	vadd.s32 v1, v3;
	s22 =	simm.s32 $0xD100  }
0x6a: {  	[tilespmem:s22], [sflag:$0x2] =	stream.indirect_vreg.gather [hbm4b:s5+s2], $0x80, v4, vm0, $0xb8;
	[tilespmem:$0x10100] =	vst v63  }
0x6b: {  	s22 =	simm.s32 $0xD900  }
0x6c: {  	[tilespmem:s22], [sflag:$0x2] =	stream.indirect_vreg.gather [hbm4b:s6+s2], $0x80, v4, vm0, $0xb8;
	[tilespmem:$0x10100] =	vst v63  }
0x6d: {  	s22 =	simm.s32 $0xE100  }
0x6e: {  	[tilespmem:s22], [sflag:$0x2] =	stream.indirect_vreg.gather [hbm4b:s3+s2], $0x80, v3, vm0, $0xb8;
	[tilespmem:$0x10100] =	vst v63  }
0x6f: {  	s22 =	simm.s32 $0xE900  }
0x70: {  	[tilespmem:s22], [sflag:$0x2] =	stream.indirect_vreg.gather [hbm4b:s4+s2], $0x80, v3, vm0, $0xb8;
	[tilespmem:$0x10100] =	vst v63  }
0x71: {  	s22 =	simm.s32 $0xF100  }
0x72: {  	[tilespmem:s22], [sflag:$0x2] =	stream.indirect_vreg.gather [hbm4b:s5+s2], $0x80, v3, vm0, $0xb8;
	[tilespmem:$0x10100] =	vst v63  }
0x73: {  	s22 =	simm.s32 $0xF900  }
0x74: {  	[tilespmem:s22], [sflag:$0x2] =	stream.indirect_vreg.gather [hbm4b:s6+s2], $0x80, v3, vm0, $0xb8;
	[tilespmem:$0x10100] =	vst v63  }
0x75: {  	_ =	swait.ge [sflag:s18], $0x8000  }
0x76: {  	[sflag:s18] =	ssyncset.done $0x0  }
0x77: {  	s22 =	rddreg [dreg:$0x5];
	[sflag:s18] =	ssyncadd.s32 $0xFFFF8000  }
0x78: {  	[hbm4b:s22+s2] =	stream.linear.scatter [tilespmem:s25], [sflag:$0x3], $0x8000, $0x38;
	[tilespmem:$0x10100] =	vst v63  }
0x79: {  	_ =	swait.ge [sflag:s19], $0x8000  }
0x7a: {  	[sflag:s19] =	ssyncset.done $0x0  }
0x7b: {  	s22 =	rddreg [dreg:$0x6];
	[sflag:s19] =	ssyncadd.s32 $0xFFFF8000  }
0x7c: {  	[hbm4b:s22+s2] =	stream.linear.scatter [tilespmem:s8], [sflag:$0x4], $0x8000, $0x38;
	[tilespmem:$0x10100] =	vst v63  }
0x7d: {  	_ =	swait.ge [sflag:s20], $0x8000  }
0x7e: {  	[sflag:s20] =	ssyncset.done $0x0  }
0x7f: {  	[sflag:s20] =	ssyncadd.s32 $0xFFFF8000  }
0x80: {  	v3 =	vld [tilespmem:$0x20];
	_ =	sdelay $0x4  }
0x81: {  	v60 =	vshll.u32 v3, $0x3  }
0x82: {  	v3 =	vand.u32 $0x7, v3;
	v4 =	vand.u32 $0xFFFFFFC0, v60  }
0x83: {  	v3 =	vor.u32 v3, v4  }
0x84: {  	v4 =	vperm.xlane v3, v0;
	_ =	sdelay $0x1  }
0x85: {  	v4 =	vadd.s32 v1, v4;
	_ =	sdelay $0x4  }
0x86: {  	[tilespmem:s25], [sflag:$0x1] =	stream.indirect_vreg.gather [hbm4b:s3+s2], $0x80, v4, vm0, $0xb8;
	[tilespmem:$0x10100] =	vst v63  }
0x87: {  	v3 =	vperm.xlane v3, v2  }
0x88: {  	[tilespmem:s23], [sflag:$0x1] =	stream.indirect_vreg.gather [hbm4b:s4+s2], $0x80, v4, vm0, $0xb8;
	[tilespmem:$0x10100] =	vst v63  }
0x89: {  	v3 =	vadd.s32 v1, v3  }
0x8a: {  	[tilespmem:s24], [sflag:$0x1] =	stream.indirect_vreg.gather [hbm4b:s5+s2], $0x80, v4, vm0, $0xb8;
	[tilespmem:$0x10100] =	vst v63  }
0x8b: {  	_ = 	snop  }
0x8c: {  	[tilespmem:s26], [sflag:$0x1] =	stream.indirect_vreg.gather [hbm4b:s6+s2], $0x80, v4, vm0, $0xb8;
	[tilespmem:$0x10100] =	vst v63  }
0x8d: {  	_ = 	snop  }
0x8e: {  	[tilespmem:s28], [sflag:$0x1] =	stream.indirect_vreg.gather [hbm4b:s3+s2], $0x80, v3, vm0, $0xb8;
	[tilespmem:$0x10100] =	vst v63  }
0x8f: {  	_ = 	snop  }
0x90: {  	[tilespmem:s29], [sflag:$0x1] =	stream.indirect_vreg.gather [hbm4b:s4+s2], $0x80, v3, vm0, $0xb8;
	[tilespmem:$0x10100] =	vst v63  }
0x91: {  	_ = 	snop  }
0x92: {  	[tilespmem:s30], [sflag:$0x1] =	stream.indirect_vreg.gather [hbm4b:s5+s2], $0x80, v3, vm0, $0xb8;
	[tilespmem:$0x10100] =	vst v63  }
0x93: {  	_ = 	snop  }
0x94: {  	[tilespmem:s31], [sflag:$0x1] =	stream.indirect_vreg.gather [hbm4b:s6+s2], $0x80, v3, vm0, $0xb8;
	[tilespmem:$0x10100] =	vst v63  }
0x95: {  	v3 =	vld [tilespmem:$0x30];
	_ =	sdelay $0x4  }
0x96: {  	v61 =	vshll.u32 v3, $0x3  }
0x97: {  	v3 =	vand.u32 $0x7, v3;
	v4 =	vand.u32 $0xFFFFFFC0, v61  }
0x98: {  	v3 =	vor.u32 v3, v4  }
0x99: {  	v4 =	vperm.xlane v3, v0;
	_ =	sdelay $0x1  }
0x9a: {  	v4 =	vadd.s32 v1, v4;
	_ =	sdelay $0x4  }
0x9b: {  	[tilespmem:s0], [sflag:$0x1] =	stream.indirect_vreg.gather [hbm4b:s3+s2], $0x80, v4, vm0, $0xb8;
	[tilespmem:$0x10100] =	vst v63  }
0x9c: {  	v3 =	vperm.xlane v3, v2  }
0x9d: {  	[tilespmem:s1], [sflag:$0x1] =	stream.indirect_vreg.gather [hbm4b:s4+s2], $0x80, v4, vm0, $0xb8;
	[tilespmem:$0x10100] =	vst v63  }
0x9e: {  	v3 =	vadd.s32 v1, v3  }
0x9f: {  	[tilespmem:s10], [sflag:$0x1] =	stream.indirect_vreg.gather [hbm4b:s5+s2], $0x80, v4, vm0, $0xb8;
	[tilespmem:$0x10100] =	vst v63  }
0xa0: {  	_ = 	snop  }
0xa1: {  	[tilespmem:s11], [sflag:$0x1] =	stream.indirect_vreg.gather [hbm4b:s6+s2], $0x80, v4, vm0, $0xb8;
	[tilespmem:$0x10100] =	vst v63  }
0xa2: {  	_ = 	snop  }
0xa3: {  	[tilespmem:s12], [sflag:$0x1] =	stream.indirect_vreg.gather [hbm4b:s3+s2], $0x80, v3, vm0, $0xb8;
	[tilespmem:$0x10100] =	vst v63  }
0xa4: {  	_ = 	snop  }
0xa5: {  	[tilespmem:s13], [sflag:$0x1] =	stream.indirect_vreg.gather [hbm4b:s4+s2], $0x80, v3, vm0, $0xb8;
	[tilespmem:$0x10100] =	vst v63  }
0xa6: {  	_ = 	snop  }
0xa7: {  	[tilespmem:s14], [sflag:$0x1] =	stream.indirect_vreg.gather [hbm4b:s5+s2], $0x80, v3, vm0, $0xb8;
	[tilespmem:$0x10100] =	vst v63  }
0xa8: {  	_ = 	snop  }
0xa9: {  	[tilespmem:s15], [sflag:$0x1] =	stream.indirect_vreg.gather [hbm4b:s6+s2], $0x80, v3, vm0, $0xb8;
	[tilespmem:$0x10100] =	vst v63  }
0xaa: {  	_ =	swait.ge [sflag:s21], $0x8000  }
0xab: {  	[sflag:s21] =	ssyncset.done $0x0  }
0xac: {  	[sflag:s21] =	ssyncadd.s32 $0xFFFF8000  }
0xad: {  	v3 =	vld [tilespmem:$0xA0];
	_ =	sdelay $0x4  }
0xae: {  	v62 =	vshll.u32 v3, $0x3  }
0xaf: {  	v3 =	vand.u32 $0x7, v3;
	v4 =	vand.u32 $0xFFFFFFC0, v62  }
0xb0: {  	v3 =	vor.u32 v3, v4  }
0xb1: {  	v4 =	vperm.xlane v3, v0;
	_ =	sdelay $0x1  }
0xb2: {  	v4 =	vadd.s32 v1, v4;
	_ =	sdelay $0x4  }
0xb3: {  	[tilespmem:s8], [sflag:$0x2] =	stream.indirect_vreg.gather [hbm4b:s3+s2], $0x80, v4, vm0, $0xb8;
	[tilespmem:$0x10100] =	vst v63  }
0xb4: {  	v3 =	vperm.xlane v3, v2  }
0xb5: {  	[tilespmem:s16], [sflag:$0x2] =	stream.indirect_vreg.gather [hbm4b:s4+s2], $0x80, v4, vm0, $0xb8;
	[tilespmem:$0x10100] =	vst v63  }
0xb6: {  	v3 =	vadd.s32 v1, v3  }
0xb7: {  	[tilespmem:s17], [sflag:$0x2] =	stream.indirect_vreg.gather [hbm4b:s5+s2], $0x80, v4, vm0, $0xb8;
	[tilespmem:$0x10100] =	vst v63  }
0xb8: {  	_ = 	snop  }
0xb9: {  	[tilespmem:s9], [sflag:$0x2] =	stream.indirect_vreg.gather [hbm4b:s6+s2], $0x80, v4, vm0, $0xb8;
	[tilespmem:$0x10100] =	vst v63  }
0xba: {  	s22 =	simm.s32 $0xA100  }
0xbb: {  	[tilespmem:s22], [sflag:$0x2] =	stream.indirect_vreg.gather [hbm4b:s3+s2], $0x80, v3, vm0, $0xb8;
	[tilespmem:$0x10100] =	vst v63  }
0xbc: {  	s23 =	simm.s32 $0xA900  }
0xbd: {  	[tilespmem:s23], [sflag:$0x2] =	stream.indirect_vreg.gather [hbm4b:s4+s2], $0x80, v3, vm0, $0xb8;
	[tilespmem:$0x10100] =	vst v63  }
0xbe: {  	s22 =	simm.s32 $0xB100  }
0xbf: {  	[tilespmem:s22], [sflag:$0x2] =	stream.indirect_vreg.gather [hbm4b:s5+s2], $0x80, v3, vm0, $0xb8;
	[tilespmem:$0x10100] =	vst v63  }
0xc0: {  	s23 =	simm.s32 $0xB900  }
0xc1: {  	[tilespmem:s23], [sflag:$0x2] =	stream.indirect_vreg.gather [hbm4b:s6+s2], $0x80, v3, vm0, $0xb8;
	[tilespmem:$0x10100] =	vst v63  }
0xc2: {  	v3 =	vld [tilespmem:$0xB0];
	_ =	sdelay $0x4  }
0xc3: {  	v63 =	vshll.u32 v3, $0x3  }
0xc4: {  	v3 =	vand.u32 $0x7, v3;
	v4 =	vand.u32 $0xFFFFFFC0, v63  }
0xc5: {  	v3 =	vor.u32 v3, v4  }
0xc6: {  	v4 =	vperm.xlane v3, v0;
	_ =	sdelay $0x1  }
0xc7: {  	v4 =	vadd.s32 v1, v4;
	_ =	sdelay $0x3  }
0xc8: {  	s22 =	simm.s32 $0xC100  }
0xc9: {  	[tilespmem:s22], [sflag:$0x2] =	stream.indirect_vreg.gather [hbm4b:s3+s2], $0x80, v4, vm0, $0xb8;
	[tilespmem:$0x10100] =	vst v63  }
0xca: {  	s23 =	simm.s32 $0xC900;
	v3 =	vperm.xlane v3, v2  }
0xcb: {  	[tilespmem:s23], [sflag:$0x2] =	stream.indirect_vreg.gather [hbm4b:s4+s2], $0x80, v4, vm0, $0xb8;
	[tilespmem:$0x10100] =	vst v63  }
0xcc: {  	v3 =	vadd.s32 v1, v3;
	s22 =	simm.s32 $0xD100  }
0xcd: {  	[tilespmem:s22], [sflag:$0x2] =	stream.indirect_vreg.gather [hbm4b:s5+s2], $0x80, v4, vm0, $0xb8;
	[tilespmem:$0x10100] =	vst v63  }
0xce: {  	s23 =	simm.s32 $0xD900  }
0xcf: {  	[tilespmem:s23], [sflag:$0x2] =	stream.indirect_vreg.gather [hbm4b:s6+s2], $0x80, v4, vm0, $0xb8;
	[tilespmem:$0x10100] =	vst v63  }
0xd0: {  	s22 =	simm.s32 $0xE100  }
0xd1: {  	[tilespmem:s22], [sflag:$0x2] =	stream.indirect_vreg.gather [hbm4b:s3+s2], $0x80, v3, vm0, $0xb8;
	[tilespmem:$0x10100] =	vst v63  }
0xd2: {  	s23 =	simm.s32 $0xE900  }
0xd3: {  	[tilespmem:s23], [sflag:$0x2] =	stream.indirect_vreg.gather [hbm4b:s4+s2], $0x80, v3, vm0, $0xb8;
	[tilespmem:$0x10100] =	vst v63  }
0xd4: {  	s22 =	simm.s32 $0xF100  }
0xd5: {  	[tilespmem:s22], [sflag:$0x2] =	stream.indirect_vreg.gather [hbm4b:s5+s2], $0x80, v3, vm0, $0xb8;
	[tilespmem:$0x10100] =	vst v63  }
0xd6: {  	s23 =	simm.s32 $0xF900  }
0xd7: {  	[tilespmem:s23], [sflag:$0x2] =	stream.indirect_vreg.gather [hbm4b:s6+s2], $0x80, v3, vm0, $0xb8;
	[tilespmem:$0x10100] =	vst v63  }
0xd8: {  	_ =	swait.ge [sflag:s18], $0x8000  }
0xd9: {  	[sflag:s18] =	ssyncset.done $0x0  }
0xda: {  	s0 =	rddreg [dreg:$0x7];
	[sflag:s18] =	ssyncadd.s32 $0xFFFF8000  }
0xdb: {  	[hbm4b:s0+s2] =	stream.linear.scatter [tilespmem:s25], [sflag:$0x3], $0x8000, $0x38;
	[tilespmem:$0x10100] =	vst v63  }
0xdc: {  	_ =	swait.ge [sflag:s19], $0x8000  }
0xdd: {  	[sflag:s19] =	ssyncset.done $0x0  }
0xde: {  	s23 =	rddreg [dreg:$0x8];
	[sflag:s19] =	ssyncadd.s32 $0xFFFF8000  }
0xdf: {  	[hbm4b:s23+s2] =	stream.linear.scatter [tilespmem:s8], [sflag:$0x4], $0x8000, $0x38;
	[tilespmem:$0x10100] =	vst v63  }
0xe0: {  	p0 =	sne.s32 s7, $0x1;
	_ =	swait.ge [sflag:s20], $0x8000  }
.Ltmp0:
0xe1: {  	[sflag:s20] =	ssyncset.done $0x0;
	(pc) =	sbr.rel @p0 .LBB2_1-.Ltmp0, $4  }
0xe2: {  	[sflag:s20] =	ssyncadd.s32 $0xFFFF8000  }
0xe3: {  	_ =	swait.ge [sflag:s21], $0x8000  }
0xe4: {  	[sflag:s21] =	ssyncset.done $0x0  }
0xe5: {  	s7 =	sadd.s32 $0xFFFFFFFF, s7;
	[sflag:s21] =	ssyncadd.s32 $0xFFFF8000  }
0xe6: {  	_ =	sfence.sel $0x180000  }
0xe7: {  	[bflag:$0x0] =	sbarrier.arrive $0xFFFF  }
0xe8: {  	_ =	strace $0x9000004A  }
0xe9: {  	s0 =	stileid.u32;
	[bflag:$0x2] =	sbarrier.arrive $0xFFFF  }
0xea: {  	p0 =	sne.s32 s0, $0x0;
	s0 =	rddreg [dreg:$0x2]  }
0xeb: {  	s0 =	sadd.s32 @!p0 $0x100000, s0  }
0xec: {  	[sflag:s0] =	ssyncadd.tile.s32 @!p0 $0x1;
	_ =	shalt  }
.Lfunc_end2:
_tile_overlayer_lowered:
.L_overlay_start_2:
0xed: {  	(tag) =	ssettag $0x2  }
0xee: {  	s0 =	rddreg [dreg:$0x0];
	s2 =	stileid.u32  }
0xef: {  	s1 =	rddreg [dreg:$0x1];
	p0 =	sne.s32 s2, $0x0  }
0xf0: {  	s3 =	rddreg [dreg:$0x2];
	[bflag:$0x3] =	sbarrier.arrive $0xFFFF;
	s2 =	simm.s32 @!p0 $0x1C05  }
0xf1: {  	[timem:s3], [sflag:s2] =	dma.local @!p0 [hbm:s0], s1  }
0xf2: {  	s0 =	simm.s32 @!p0 $0x5  }
0xf3: {  	_ =	swait.ge @!p0 [sflag:s0], s1  }
0xf4: {  	s1 =	ssub.s32 @!p0 $0x0, s1;
	[sflag:s0] =	ssyncset.done @!p0 $0x0  }
0xf5: {  	[sflag:s0] =	ssyncadd.s32 @!p0 s1  }
0xf6: {  	[bflag:$0x3] =	sbarrier.arrive $0xFFFF  }
0xf7: {  	_ =	shalt  }

// kernel: kernel.7.cloned.1.call-start
scs
__scs_entry_jumppad:
0x0: {  	(pc) =	sbr.rel $0x88, $3  }
0x1: {  	(tag) =	ssettag $0x0;
	lr =	simm.s32 $0x1  }
0x2: {  	[smem:$0x3F9A] =	sst lr;
	_ =	strace $0xD0000000  }
0x3: {  	_ = 	snop  }
0x4: {  	_ = 	snop  }
0x5: {  	_ = 	snop  }
0x6: {  	_ = 	snop  }
0x7: {  	_ = 	snop  }
__scs_overlays_trampoline_lowered:
0x8: {  	[smem:$0x3FA9] =	sst s0  }
0x9: {  	[smem:$0x3FAA] =	sst s1  }
0xa: {  	[smem:$0x3FAB] =	sst s2  }
0xb: {  	[smem:$0x3FAC] =	sst s3  }
0xc: {  	[smem:$0x3FAD] =	sst s4  }
0xd: {  	[smem:$0x3FAE] =	sst s5  }
0xe: {  	[smem:$0x3FAF] =	sst s6  }
0xf: {  	[smem:$0x3FB0] =	sst s7  }
0x10: {  	[smem:$0x3FB1] =	sst s8  }
0x11: {  	[smem:$0x3FB2] =	sst s9;
	s0 =	simm.s32 @!p0 $0x0  }
0x12: {  	s1 =	sld [smem:$0x3F98];
	s0 =	simm.s32 @p0 $0x1  }
0x13: {  	[smem:$0x3FB3] =	sst s0;
	s0 =	simm.s32 @!p1 $0x0  }
0x14: {  	s2 =	sld [smem:$0x3F97];
	s0 =	simm.s32 @p1 $0x1  }
0x15: {  	[smem:$0x3FB4] =	sst s0;
	s0 =	simm.s32 @!p2 $0x0  }
0x16: {  	s3 =	sld [smem:$0x3FDB];
	s0 =	simm.s32 @p2 $0x1  }
0x17: {  	s4 =	simm.s32 $0x1BF5;
	[smem:$0x3FB6] =	sst s0  }
0x18: {  	s0 =	sld [smem:$0x3F99];
	_ =	swait.ge [sflag:s4], $0x0  }
0x19: {  	s7 =	sld [smem:$0x3F9A]  }
0x1a: {  	s8 =	sadd.s32 $0xFFFFE003, lr  }
0x1b: {  	s9 =	sadd.s32 $0xFFFFFEF7, lr;
	s5 =	simm.s32 $0xFFFFFFFF;
	p2 =	slt.u32 s8, $0xFFFFF086  }
0x1c: {  	p1 =	slt.u32 s9, $0xF7A;
	s5 =	simm.s32 @!p2 $0x0  }
0x1d: {  	s5 =	simm.s32 @p1 $0x1;
	p0 =	seq.s32 s7, s2  }
0x1e: {  	s7 =	smul.u32 @!p0 $0xF7A, s2;
	p2 =	seq.s32 @!p0 s5, $0x0  }
0x1f: {  	s9 =	smul.u32 $0xF7A, s1;
	s8 =	simm.s32 @!p0 $0x1BF5;
	p2 =	por !p2, p0  }
0x20: {  	[sflag:s8] =	ssyncset.s32 @!p0 $0xFFFFF086;
	s6 =	sadd.s32 @!p0 s3, s7;
	s7 =	simm.s32 @!p0 $0x108  }
0x21: {  	s3 =	sadd.s32 s3, s9;
	s6 =	sadd.s32 @!p0 $0x88, s6;
	s7 =	simm.s32 @p2 $0x1082  }
0x22: {  	[simem:s7], [sflag:s8] =	dma.local @!p0 [hbm:s6], $0xF7A  }
0x23: {  	s9 =	sor.u32 $0xD0000000, s2;
	s6 =	simm.s32 $0x108;
	_ =	swait.ge @!p0 [sflag:s8], $0x0  }
0x24: {  	s3 =	sadd.s32 $0x88, s3;
	s6 =	simm.s32 @!p1 $0x1082;
	[sflag:s4] =	ssyncset.s32 $0xFFFFF086  }
0x25: {  	[simem:s6], [sflag:s4] =	dma.local [hbm:s3], $0xF7A  }
0x26: {  	[smem:$0x3F9A] =	sst s1;
	(tag) =	ssettag s2;
	_ =	strace s9  }
0x27: {  	s1 =	sld [smem:$0x3FAA]  }
0x28: {  	s2 =	sld [smem:$0x3FAB]  }
0x29: {  	s4 =	sld [smem:$0x3FAD]  }
0x2a: {  	p0 =	seq.s32 s5, $0x0;
	s5 =	sld [smem:$0x3FAE]  }
0x2b: {  	s6 =	sld [smem:$0x3FAF]  }
0x2c: {  	s7 =	sld [smem:$0x3FB0]  }
0x2d: {  	s3 =	simm.s32 $0x108;
	s8 =	sld [smem:$0x3FB1]  }
0x2e: {  	s3 =	simm.s32 @!p0 $0x1082;
	s9 =	sld [smem:$0x3FB2]  }
0x2f: {  	lr =	sadd.s32 s0, s3;
	s0 =	sld [smem:$0x3FA9]  }
0x30: {  	s3 =	sld [smem:$0x3FAC]  }
0x31: {  	[smem:$0x3FB5] =	sst s10  }
0x32: {  	s10 =	sld [smem:$0x3FB3];
	_ =	sdelay $0x3  }
0x33: {  	p0 =	seq.s32 s10, $0x1;
	s10 =	sld [smem:$0x3FB5];
	_ =	sdelay $0x3  }
0x34: {  	[smem:$0x3FB5] =	sst s10  }
0x35: {  	s10 =	sld [smem:$0x3FB4];
	_ =	sdelay $0x3  }
0x36: {  	p1 =	seq.s32 s10, $0x1;
	s10 =	sld [smem:$0x3FB5];
	_ =	sdelay $0x3  }
0x37: {  	[smem:$0x3FB5] =	sst s10  }
0x38: {  	s10 =	sld [smem:$0x3FB6]  }
0x39: {  	_ = 	snop;
	(pc) =	sbr.ind lr, $3  }
0x3a: {  	_ = 	snop  }
0x3b: {  	_ = 	snop  }
0x3c: {  	p2 =	seq.s32 s10, $0x1;
	s10 =	sld [smem:$0x3FB5]  }
0x3d: {  	_ =	shalt  }
0x3e: {  	_ =	shalt  }
0x3f: {  	_ =	shalt  }
0x40: {  	_ =	shalt  }
0x41: {  	_ =	shalt  }
0x42: {  	_ =	shalt  }
0x43: {  	_ =	shalt  }
0x44: {  	_ =	shalt  }
0x45: {  	_ =	shalt  }
0x46: {  	_ =	shalt  }
0x47: {  	_ =	shalt  }
0x48: {  	_ =	shalt  }
0x49: {  	_ =	shalt  }
0x4a: {  	_ =	shalt  }
0x4b: {  	_ =	shalt  }
0x4c: {  	_ =	shalt  }
0x4d: {  	_ =	shalt  }
0x4e: {  	_ =	shalt  }
0x4f: {  	_ =	shalt  }
0x50: {  	_ =	shalt  }
0x51: {  	_ =	shalt  }
0x52: {  	_ =	shalt  }
0x53: {  	_ =	shalt  }
0x54: {  	_ =	shalt  }
0x55: {  	_ =	shalt  }
0x56: {  	_ =	shalt  }
0x57: {  	_ =	shalt  }
0x58: {  	_ =	shalt  }
0x59: {  	_ =	shalt  }
0x5a: {  	_ =	shalt  }
0x5b: {  	_ =	shalt  }
0x5c: {  	_ =	shalt  }
0x5d: {  	_ =	shalt  }
0x5e: {  	_ =	shalt  }
0x5f: {  	_ =	shalt  }
0x60: {  	_ =	shalt  }
0x61: {  	_ =	shalt  }
0x62: {  	_ =	shalt  }
0x63: {  	_ =	shalt  }
0x64: {  	_ =	shalt  }
0x65: {  	_ =	shalt  }
0x66: {  	_ =	shalt  }
0x67: {  	_ =	shalt  }
0x68: {  	_ =	shalt  }
0x69: {  	_ =	shalt  }
0x6a: {  	_ =	shalt  }
0x6b: {  	_ =	shalt  }
0x6c: {  	_ =	shalt  }
0x6d: {  	_ =	shalt  }
0x6e: {  	_ =	shalt  }
0x6f: {  	_ =	shalt  }
0x70: {  	_ =	shalt  }
0x71: {  	_ =	shalt  }
0x72: {  	_ =	shalt  }
0x73: {  	_ =	shalt  }
0x74: {  	_ =	shalt  }
0x75: {  	_ =	shalt  }
0x76: {  	_ =	shalt  }
0x77: {  	_ =	shalt  }
0x78: {  	_ =	shalt  }
0x79: {  	_ =	shalt  }
0x7a: {  	_ =	shalt  }
0x7b: {  	_ =	shalt  }
0x7c: {  	_ =	shalt  }
0x7d: {  	_ =	shalt  }
0x7e: {  	_ =	shalt  }
0x7f: {  	_ =	shalt  }
0x80: {  	_ =	shalt  }
0x81: {  	_ =	shalt  }
0x82: {  	_ =	shalt  }
0x83: {  	_ =	shalt  }
0x84: {  	_ =	shalt  }
0x85: {  	_ =	shalt  }
0x86: {  	_ =	shalt  }
0x87: {  	_ =	shalt  }
.Lfunc_end0:
.L_simem_size_0:
called_computation_lowered:
.L_overlay_start_0:
0x88: {  	s2 =	sld [smem:$0x3FD9]  }
0x89: {  	s3 =	sld [smem:$0x3FFE];
	_ =	sdelay $0x1  }
0x8a: {  	s1 =	srdreg.scid  }
0x8b: {  	s0 =	sand.u32 $0x1, s1  }
0x8c: {  	s17 =	sshll.u32 s0, $0xA;
	s2 =	sadd.s32 s3, s2  }
0x8d: {  	s2 =	sadd.s32 s2, s17  }
0x8e: {  	[smem:$0x3FC1] =	sst s2  }
0x8f: {  	_ = 	snop  }
0x90: {  	s2 =	sld [smem:$0x3FC9];
	(tm) =	ssettm $0x1  }
0x91: {  	s18 =	sld [smem:$0x3FFB];
	_ =	sdelay $0x3  }
0x92: {  	_ =	strace s18  }
0x93: {  	s3 =	sld [smem:$0x3FFC];
	_ =	sdelay $0x3  }
0x94: {  	_ =	strace s3  }
0x95: {  	s3 =	sld [smem:$0x3FFD];
	_ =	sdelay $0x3  }
0x96: {  	_ =	strace s3  }
0x97: {  	_ =	strace $0x8FFFFFFF  }
0x98: {  	s19 =	sld [smem:$0x3FDB];
	_ =	sdelay $0x1  }
0x99: {  	s4 =	simm.s32 $_scs_section_size  }
0x9a: {  	s5 =	simm.s32 $_size__tile_overlayer_lowered;
	s6 =	simm.s32 $_tile_overlayer_lowered  }
0x9b: {  	s22 =	simm.s32 $0x1BFF;
	s21 =	sshll.u32 s6, $0x1;
	s3 =	sadd.s32 s4, s19  }
0x9c: {  	s7 =	simm.s32 $0x0;
	s20 =	sshll.u32 s5, $0x1;
	s5 =	sadd.s32 s21, s3  }
0x9d: {  	[timem:s7], [sflag:s22] =	dma.local [hbm:s5], s20  }
0x9e: {  	_ =	swait.ge [sflag:s22], s20  }
0x9f: {  	s4 =	ssub.s32 $0x0, s20;
	[sflag:s22] =	ssyncset.done $0x0  }
0xa0: {  	[sflag:s22] =	ssyncadd.s32 s4;
	_ =	sdelay $0x1  }
0xa1: {  	s23 =	simm.s32 $0x1B8B  }
0xa2: {  	_ =	swait.ge [sflag:s23], $0x1  }
0xa3: {  	[sflag:s23] =	ssyncset.done $0x0  }
0xa4: {  	s25 =	simm.s32 $0x1B8E;
	s24 =	sld [smem:$0x3FFE];
	[sflag:s23] =	ssyncadd.s32 $0xFFFFFFFF  }
0xa5: {  	s26 =	simm.s32 $execute0_lowered;
	[smem:$0x3FD2] =	sst s25  }
0xa6: {  	s5 =	sshll.u32 s26, $0x1;
	_ =	strace $0x80000046;
	[dreg:$0x1] =	wrdreg $0xFFFFFFFF  }
0xa7: {  	s28 =	simm.s32 $_size_execute0_lowered;
	s3 =	sadd.s32 s3, s5;
	[dreg:$0x0] =	wrdreg $0x0  }
0xa8: {  	s5 =	sshll.u32 s28, $0x1;
	[dreg:$0x2] =	wrdreg s3  }
0xa9: {  	[dreg:$0x3] =	wrdreg s5  }
0xaa: {  	[dreg:$0x4] =	wrdreg $0xC0  }
0xab: {  	_ =	task [dreg:s7], $0x5FFFF  }
0xac: {  	[dreg:$0x1] =	wrdreg $0xFFFFFFFF  }
0xad: {  	[dreg:$0x0] =	wrdreg $0x60  }
0xae: {  	[dreg:$0x2] =	wrdreg s2  }
0xaf: {  	[dreg:$0x3] =	wrdreg s24  }
0xb0: {  	[dreg:$0x4] =	wrdreg $0x9  }
0xb1: {  	_ =	task.clear_ibuf [dreg:s7], $0x5FFFF;
	_ =	strace $0x90000046  }
0xb2: {  	s29 =	simm.s32 $0x9;
	_ =	strace $0x80000048  }
0xb3: {  	_ =	swait.ge [sflag:s29], $0x1  }
0xb4: {  	[sflag:s29] =	ssyncadd.s32 $0xFFFFFFFF  }
0xb5: {  	_ =	strace $0x90000048  }
0xb6: {  	_ =	sfence  }
0xb7: {  	s30 =	sld [smem:$0x0];
	_ =	sdelay $0x2  }
0xb8: {  	s31 =	sshll.u32 s1, $0xD;
	s1 =	sshrl.u32 s1, $0x2  }
0xb9: {  	s3 =	sand.u32 $0x4000, s31;
	s1 =	sadd.s32 s1, s30  }
0xba: {  	s0 =	sor.u32 s3, s0;
	s1 =	sshll.u32 s1, $0x11  }
0xbb: {  	s0 =	sor.u32 s1, s0  }
0xbc: {  	s0 =	sadd.s32 $0x8F2B, s0  }
0xbd: {  	[sflag:s0] =	ssyncadd.remote.s32 $0x1  }
0xbe: {  	_ =	sfence.sel $0xFFFF  }
0xbf: {  	[dreg:$0x0] =	wrdreg $0xFFFFFFFF;
	(pc) =	sbr.abs _section_cstart, $3  }
0xc0: {  	[dreg:$0x1] =	wrdreg $0xFFFFFFFF  }
0xc1: {  	_ =	task.clear_ibuf [dreg:s7], $0x2FFFF;
	_ =	strace $0x9FFFFFFF  }
0xc2: {  	(tm) =	ssettm $0x7FFFFFFF  }
0xc3: {  	_ =	shalt  }
tec
execute0_lowered:
.L_overlay_start_1:
0x0: {  	(tag) =	ssettag $0x1  }
0x1: {  	s1 =	rddreg [dreg:$0x0]  }
0x2: {  	s0 =	srdreg.scid;
	s6 =	rddreg [dreg:$0x1]  }
0x3: {  	s4 =	stileid.u32;
	s2 =	simm.s32 $0x0;
	s26 =	simm.s32 $0x80  }
0x4: {  	s10 =	simm.s32 $0x100;
	s28 =	simm.s32 $0x3100;
	s29 =	simm.s32 $0x3900  }
0x5: {  	s30 =	simm.s32 $0x4100;
	s31 =	simm.s32 $0x4900;
	s11 =	simm.s32 $0x6100  }
0x6: {  	s12 =	simm.s32 $0x6900;
	s13 =	simm.s32 $0x7100;
	s14 =	simm.s32 $0x7900  }
0x7: {  	s15 =	simm.s32 $0x8100;
	s16 =	simm.s32 $0x8900;
	s17 =	simm.s32 $0x9100  }
0x8: {  	s18 =	simm.s32 $0x9900;
	s19 =	simm.s32 $0xA100;
	s8 =	simm.s32 $0xA900  }
0x9: {  	s20 =	simm.s32 $0xB100;
	s21 =	simm.s32 $0xB900;
	s0 =	sand.u32 $0x1, s0  }
0xa: {  	s9 =	simm.s32 $0xC100;
	[smem:$0x7FF] =	sst s2;
	s3 =	sshll.u32 s0, $0x4  }
0xb: {  	_ =	strace $0x80000047;
	s0 =	ssub.s32 $0x2, s0;
	[dreg:$0x6] =	wrdreg s26  }
0xc: {  	s26 =	simm.s32 $0x2900;
	s3 =	sor.u32 s4, s3;
	s5 =	sshrl.u32 s0, $0x1  }
0xd: {  	s4 =	sshll.u32 s3, $0x4;
	s3 =	sshll.u32 s3, $0xD;
	s0 =	ssub.s32 s0, s5  }
0xe: {  	s5 =	sadd.s32 $0x9A00, s6;
	s4 =	sadd.s32 s4, s6;
	s1 =	sadd.s32 s1, s3  }
0xf: {  	s3 =	sadd.s32 $0x9800, s6;
	s7 =	smax.u32 s0, $0x1;
	[dreg:$0x3] =	wrdreg s1  }
0x10: {  	v2 =	vlaneseq.u32;
	s24 =	sadd.s32 $0x9400, s4;
	s25 =	sadd.s32 $0x9600, s4;
	s4 =	sadd.s32 $0x9900, s6  }
0x11: {  	vm0 =	vmmov $0xffff;
	v1 =	vshrl.u32 v2, $0x3;
	s6 =	sadd.s32 $0x9B00, s6;
	s1 =	simm.s32 $0x5900;
	[dreg:$0x4] =	wrdreg s24  }
0x12: {  	v0 =	vand.u32 $0x7, v2;
	v2 =	vor.u32 $0x8, v2;
	v1 =	vmul.u32 $0x8, v1;
	[dreg:$0x5] =	wrdreg s25;
	s24 =	simm.s32 $0x1900;
	s25 =	simm.s32 $0x2100  }
.LBB2_1:
0x13: {  	s22 =	rddreg [dreg:$0x3]  }
0x14: {  	[tilespmem:s10], [sflag:$0x1] =	stream.linear.gather [hbm4b:s22+s2], $0x10000, $0x38;
	[tilespmem:$0x10100] =	vst v63  }
0x15: {  	s23 =	rddreg [dreg:$0x4];
	s0 =	simm.s32 $0x4  }
0x16: {  	[tilespmem:s2], [sflag:$0x4] =	stream.linear.gather [hbm4b:s23+s2], $0x80, $0x38;
	[tilespmem:$0x10100] =	vst v63  }
0x17: {  	_ =	swait.ge [sflag:s0], $0x80  }
0x18: {  	s22 =	rddreg [dreg:$0x5];
	[sflag:s0] =	ssyncset.done $0x0  }
0x19: {  	s23 =	rddreg [dreg:$0x6];
	[sflag:s0] =	ssyncadd.s32 $0xFFFFFF80  }
0x1a: {  	[tilespmem:s23], [sflag:$0x4] =	stream.linear.gather [hbm4b:s22+s2], $0x80, $0x38;
	[tilespmem:$0x10100] =	vst v63  }
0x1b: {  	_ =	swait.ge [sflag:s0], $0x80  }
0x1c: {  	[sflag:s0] =	ssyncset.done $0x0  }
0x1d: {  	s23 =	simm.s32 $0x1;
	[sflag:s0] =	ssyncadd.s32 $0xFFFFFF80  }
0x1e: {  	_ =	swait.ge [sflag:s23], $0x10000  }
0x1f: {  	[sflag:s23] =	ssyncset.done $0x0  }
0x20: {  	[sflag:s23] =	ssyncadd.s32 $0xFFFF0000  }
0x21: {  	v3 =	vld [tilespmem:$0x0];
	_ =	sdelay $0x4  }
0x22: {  	v4 =	vshll.u32 v3, $0x3  }
0x23: {  	v3 =	vand.u32 $0x7, v3;
	v4 =	vand.u32 $0xFFFFFFC0, v4  }
0x24: {  	v3 =	vor.u32 v3, v4  }
0x25: {  	v4 =	vperm.xlane v3, v0;
	_ =	sdelay $0x1  }
0x26: {  	v4 =	vadd.s32 v1, v4;
	_ =	sdelay $0x4  }
0x27: {  	[hbm4b:s3+s2] =	stream.indirect_vreg.scatter [tilespmem:s10], [sflag:$0x2], $0x80, v4, vm0, $0xb8;
	[tilespmem:$0x10100] =	vst v63  }
0x28: {  	s22 =	simm.s32 $0x900;
	v3 =	vperm.xlane v3, v2  }
0x29: {  	[hbm4b:s4+s2] =	stream.indirect_vreg.scatter [tilespmem:s22], [sflag:$0x2], $0x80, v4, vm0, $0xb8;
	[tilespmem:$0x10100] =	vst v63  }
0x2a: {  	s23 =	simm.s32 $0x1100;
	v3 =	vadd.s32 v1, v3  }
0x2b: {  	[hbm4b:s5+s2] =	stream.indirect_vreg.scatter [tilespmem:s23], [sflag:$0x2], $0x80, v4, vm0, $0xb8;
	[tilespmem:$0x10100] =	vst v63  }
0x2c: {  	_ = 	snop  }
0x2d: {  	[hbm4b:s6+s2] =	stream.indirect_vreg.scatter [tilespmem:s24], [sflag:$0x2], $0x80, v4, vm0, $0xb8;
	[tilespmem:$0x10100] =	vst v63  }
0x2e: {  	_ = 	snop  }
0x2f: {  	[hbm4b:s3+s2] =	stream.indirect_vreg.scatter [tilespmem:s25], [sflag:$0x2], $0x80, v3, vm0, $0xb8;
	[tilespmem:$0x10100] =	vst v63  }
0x30: {  	_ = 	snop  }
0x31: {  	[hbm4b:s4+s2] =	stream.indirect_vreg.scatter [tilespmem:s26], [sflag:$0x2], $0x80, v3, vm0, $0xb8;
	[tilespmem:$0x10100] =	vst v63  }
0x32: {  	_ = 	snop  }
0x33: {  	[hbm4b:s5+s2] =	stream.indirect_vreg.scatter [tilespmem:s28], [sflag:$0x2], $0x80, v3, vm0, $0xb8;
	[tilespmem:$0x10100] =	vst v63  }
0x34: {  	_ = 	snop  }
0x35: {  	[hbm4b:s6+s2] =	stream.indirect_vreg.scatter [tilespmem:s29], [sflag:$0x2], $0x80, v3, vm0, $0xb8;
	[tilespmem:$0x10100] =	vst v63  }
0x36: {  	v3 =	vld [tilespmem:$0x10];
	_ =	sdelay $0x4  }
0x37: {  	v57 =	vshll.u32 v3, $0x3  }
0x38: {  	v3 =	vand.u32 $0x7, v3;
	v4 =	vand.u32 $0xFFFFFFC0, v57  }
0x39: {  	v3 =	vor.u32 v3, v4  }
0x3a: {  	v4 =	vperm.xlane v3, v0;
	_ =	sdelay $0x1  }
0x3b: {  	v4 =	vadd.s32 v1, v4;
	_ =	sdelay $0x4  }
0x3c: {  	[hbm4b:s3+s2] =	stream.indirect_vreg.scatter [tilespmem:s30], [sflag:$0x2], $0x80, v4, vm0, $0xb8;
	[tilespmem:$0x10100] =	vst v63  }
0x3d: {  	v3 =	vperm.xlane v3, v2  }
0x3e: {  	[hbm4b:s4+s2] =	stream.indirect_vreg.scatter [tilespmem:s31], [sflag:$0x2], $0x80, v4, vm0, $0xb8;
	[tilespmem:$0x10100] =	vst v63  }
0x3f: {  	s0 =	simm.s32 $0x5100;
	v3 =	vadd.s32 v1, v3  }
0x40: {  	[hbm4b:s5+s2] =	stream.indirect_vreg.scatter [tilespmem:s0], [sflag:$0x2], $0x80, v4, vm0, $0xb8;
	[tilespmem:$0x10100] =	vst v63  }
0x41: {  	_ = 	snop  }
0x42: {  	[hbm4b:s6+s2] =	stream.indirect_vreg.scatter [tilespmem:s1], [sflag:$0x2], $0x80, v4, vm0, $0xb8;
	[tilespmem:$0x10100] =	vst v63  }
0x43: {  	_ = 	snop  }
0x44: {  	[hbm4b:s3+s2] =	stream.indirect_vreg.scatter [tilespmem:s11], [sflag:$0x2], $0x80, v3, vm0, $0xb8;
	[tilespmem:$0x10100] =	vst v63  }
0x45: {  	_ = 	snop  }
0x46: {  	[hbm4b:s4+s2] =	stream.indirect_vreg.scatter [tilespmem:s12], [sflag:$0x2], $0x80, v3, vm0, $0xb8;
	[tilespmem:$0x10100] =	vst v63  }
0x47: {  	_ = 	snop  }
0x48: {  	[hbm4b:s5+s2] =	stream.indirect_vreg.scatter [tilespmem:s13], [sflag:$0x2], $0x80, v3, vm0, $0xb8;
	[tilespmem:$0x10100] =	vst v63  }
0x49: {  	_ = 	snop  }
0x4a: {  	[hbm4b:s6+s2] =	stream.indirect_vreg.scatter [tilespmem:s14], [sflag:$0x2], $0x80, v3, vm0, $0xb8;
	[tilespmem:$0x10100] =	vst v63  }
0x4b: {  	v3 =	vld [tilespmem:$0x20];
	_ =	sdelay $0x4  }
0x4c: {  	v58 =	vshll.u32 v3, $0x3  }
0x4d: {  	v3 =	vand.u32 $0x7, v3;
	v4 =	vand.u32 $0xFFFFFFC0, v58  }
0x4e: {  	v3 =	vor.u32 v3, v4  }
0x4f: {  	v4 =	vperm.xlane v3, v0;
	_ =	sdelay $0x1  }
0x50: {  	v4 =	vadd.s32 v1, v4;
	_ =	sdelay $0x4  }
0x51: {  	[hbm4b:s3+s2] =	stream.indirect_vreg.scatter [tilespmem:s15], [sflag:$0x2], $0x80, v4, vm0, $0xb8;
	[tilespmem:$0x10100] =	vst v63  }
0x52: {  	v3 =	vperm.xlane v3, v2  }
0x53: {  	[hbm4b:s4+s2] =	stream.indirect_vreg.scatter [tilespmem:s16], [sflag:$0x2], $0x80, v4, vm0, $0xb8;
	[tilespmem:$0x10100] =	vst v63  }
0x54: {  	v3 =	vadd.s32 v1, v3  }
0x55: {  	[hbm4b:s5+s2] =	stream.indirect_vreg.scatter [tilespmem:s17], [sflag:$0x2], $0x80, v4, vm0, $0xb8;
	[tilespmem:$0x10100] =	vst v63  }
0x56: {  	_ = 	snop  }
0x57: {  	[hbm4b:s6+s2] =	stream.indirect_vreg.scatter [tilespmem:s18], [sflag:$0x2], $0x80, v4, vm0, $0xb8;
	[tilespmem:$0x10100] =	vst v63  }
0x58: {  	_ = 	snop  }
0x59: {  	[hbm4b:s3+s2] =	stream.indirect_vreg.scatter [tilespmem:s19], [sflag:$0x2], $0x80, v3, vm0, $0xb8;
	[tilespmem:$0x10100] =	vst v63  }
0x5a: {  	_ = 	snop  }
0x5b: {  	[hbm4b:s4+s2] =	stream.indirect_vreg.scatter [tilespmem:s8], [sflag:$0x2], $0x80, v3, vm0, $0xb8;
	[tilespmem:$0x10100] =	vst v63  }
0x5c: {  	_ = 	snop  }
0x5d: {  	[hbm4b:s5+s2] =	stream.indirect_vreg.scatter [tilespmem:s20], [sflag:$0x2], $0x80, v3, vm0, $0xb8;
	[tilespmem:$0x10100] =	vst v63  }
0x5e: {  	_ = 	snop  }
0x5f: {  	[hbm4b:s6+s2] =	stream.indirect_vreg.scatter [tilespmem:s21], [sflag:$0x2], $0x80, v3, vm0, $0xb8;
	[tilespmem:$0x10100] =	vst v63  }
0x60: {  	v3 =	vld [tilespmem:$0x30];
	_ =	sdelay $0x4  }
0x61: {  	v59 =	vshll.u32 v3, $0x3  }
0x62: {  	v3 =	vand.u32 $0x7, v3;
	v4 =	vand.u32 $0xFFFFFFC0, v59  }
0x63: {  	v3 =	vor.u32 v3, v4  }
0x64: {  	v4 =	vperm.xlane v3, v0;
	_ =	sdelay $0x1  }
0x65: {  	v4 =	vadd.s32 v1, v4;
	_ =	sdelay $0x4  }
0x66: {  	[hbm4b:s3+s2] =	stream.indirect_vreg.scatter [tilespmem:s9], [sflag:$0x2], $0x80, v4, vm0, $0xb8;
	[tilespmem:$0x10100] =	vst v63  }
0x67: {  	s0 =	simm.s32 $0xC900;
	v3 =	vperm.xlane v3, v2  }
0x68: {  	[hbm4b:s4+s2] =	stream.indirect_vreg.scatter [tilespmem:s0], [sflag:$0x2], $0x80, v4, vm0, $0xb8;
	[tilespmem:$0x10100] =	vst v63  }
0x69: {  	v3 =	vadd.s32 v1, v3;
	s0 =	simm.s32 $0xD100  }
0x6a: {  	[hbm4b:s5+s2] =	stream.indirect_vreg.scatter [tilespmem:s0], [sflag:$0x2], $0x80, v4, vm0, $0xb8;
	[tilespmem:$0x10100] =	vst v63  }
0x6b: {  	s0 =	simm.s32 $0xD900  }
0x6c: {  	[hbm4b:s6+s2] =	stream.indirect_vreg.scatter [tilespmem:s0], [sflag:$0x2], $0x80, v4, vm0, $0xb8;
	[tilespmem:$0x10100] =	vst v63  }
0x6d: {  	s0 =	simm.s32 $0xE100  }
0x6e: {  	[hbm4b:s3+s2] =	stream.indirect_vreg.scatter [tilespmem:s0], [sflag:$0x2], $0x80, v3, vm0, $0xb8;
	[tilespmem:$0x10100] =	vst v63  }
0x6f: {  	s0 =	simm.s32 $0xE900  }
0x70: {  	[hbm4b:s4+s2] =	stream.indirect_vreg.scatter [tilespmem:s0], [sflag:$0x2], $0x80, v3, vm0, $0xb8;
	[tilespmem:$0x10100] =	vst v63  }
0x71: {  	s0 =	simm.s32 $0xF100  }
0x72: {  	[hbm4b:s5+s2] =	stream.indirect_vreg.scatter [tilespmem:s0], [sflag:$0x2], $0x80, v3, vm0, $0xb8;
	[tilespmem:$0x10100] =	vst v63  }
0x73: {  	s0 =	simm.s32 $0xF900  }
0x74: {  	[hbm4b:s6+s2] =	stream.indirect_vreg.scatter [tilespmem:s0], [sflag:$0x2], $0x80, v3, vm0, $0xb8;
	[tilespmem:$0x10100] =	vst v63  }
0x75: {  	v3 =	vld [tilespmem:$0x80];
	_ =	sdelay $0x4  }
0x76: {  	v60 =	vshll.u32 v3, $0x3  }
0x77: {  	v3 =	vand.u32 $0x7, v3;
	v4 =	vand.u32 $0xFFFFFFC0, v60  }
0x78: {  	v3 =	vor.u32 v3, v4  }
0x79: {  	v4 =	vperm.xlane v3, v0;
	_ =	sdelay $0x1  }
0x7a: {  	v4 =	vadd.s32 v1, v4;
	_ =	sdelay $0x4  }
0x7b: {  	[hbm4b:s3+s2] =	stream.indirect_vreg.scatter [tilespmem:s10], [sflag:$0x3], $0x80, v4, vm0, $0xb8;
	[tilespmem:$0x10100] =	vst v63  }
0x7c: {  	v3 =	vperm.xlane v3, v2  }
0x7d: {  	[hbm4b:s4+s2] =	stream.indirect_vreg.scatter [tilespmem:s22], [sflag:$0x3], $0x80, v4, vm0, $0xb8;
	[tilespmem:$0x10100] =	vst v63  }
0x7e: {  	v3 =	vadd.s32 v1, v3  }
0x7f: {  	[hbm4b:s5+s2] =	stream.indirect_vreg.scatter [tilespmem:s23], [sflag:$0x3], $0x80, v4, vm0, $0xb8;
	[tilespmem:$0x10100] =	vst v63  }
0x80: {  	_ = 	snop  }
0x81: {  	[hbm4b:s6+s2] =	stream.indirect_vreg.scatter [tilespmem:s24], [sflag:$0x3], $0x80, v4, vm0, $0xb8;
	[tilespmem:$0x10100] =	vst v63  }
0x82: {  	_ = 	snop  }
0x83: {  	[hbm4b:s3+s2] =	stream.indirect_vreg.scatter [tilespmem:s25], [sflag:$0x3], $0x80, v3, vm0, $0xb8;
	[tilespmem:$0x10100] =	vst v63  }
0x84: {  	_ = 	snop  }
0x85: {  	[hbm4b:s4+s2] =	stream.indirect_vreg.scatter [tilespmem:s26], [sflag:$0x3], $0x80, v3, vm0, $0xb8;
	[tilespmem:$0x10100] =	vst v63  }
0x86: {  	_ = 	snop  }
0x87: {  	[hbm4b:s5+s2] =	stream.indirect_vreg.scatter [tilespmem:s28], [sflag:$0x3], $0x80, v3, vm0, $0xb8;
	[tilespmem:$0x10100] =	vst v63  }
0x88: {  	_ = 	snop  }
0x89: {  	[hbm4b:s6+s2] =	stream.indirect_vreg.scatter [tilespmem:s29], [sflag:$0x3], $0x80, v3, vm0, $0xb8;
	[tilespmem:$0x10100] =	vst v63  }
0x8a: {  	v3 =	vld [tilespmem:$0x90];
	_ =	sdelay $0x4  }
0x8b: {  	v61 =	vshll.u32 v3, $0x3  }
0x8c: {  	v3 =	vand.u32 $0x7, v3;
	v4 =	vand.u32 $0xFFFFFFC0, v61  }
0x8d: {  	v3 =	vor.u32 v3, v4  }
0x8e: {  	v4 =	vperm.xlane v3, v0;
	_ =	sdelay $0x1  }
0x8f: {  	v4 =	vadd.s32 v1, v4;
	_ =	sdelay $0x4  }
0x90: {  	[hbm4b:s3+s2] =	stream.indirect_vreg.scatter [tilespmem:s30], [sflag:$0x3], $0x80, v4, vm0, $0xb8;
	[tilespmem:$0x10100] =	vst v63  }
0x91: {  	v3 =	vperm.xlane v3, v2  }
0x92: {  	[hbm4b:s4+s2] =	stream.indirect_vreg.scatter [tilespmem:s31], [sflag:$0x3], $0x80, v4, vm0, $0xb8;
	[tilespmem:$0x10100] =	vst v63  }
0x93: {  	s22 =	simm.s32 $0x5100;
	v3 =	vadd.s32 v1, v3  }
0x94: {  	[hbm4b:s5+s2] =	stream.indirect_vreg.scatter [tilespmem:s22], [sflag:$0x3], $0x80, v4, vm0, $0xb8;
	[tilespmem:$0x10100] =	vst v63  }
0x95: {  	_ = 	snop  }
0x96: {  	[hbm4b:s6+s2] =	stream.indirect_vreg.scatter [tilespmem:s1], [sflag:$0x3], $0x80, v4, vm0, $0xb8;
	[tilespmem:$0x10100] =	vst v63  }
0x97: {  	_ = 	snop  }
0x98: {  	[hbm4b:s3+s2] =	stream.indirect_vreg.scatter [tilespmem:s11], [sflag:$0x3], $0x80, v3, vm0, $0xb8;
	[tilespmem:$0x10100] =	vst v63  }
0x99: {  	_ = 	snop  }
0x9a: {  	[hbm4b:s4+s2] =	stream.indirect_vreg.scatter [tilespmem:s12], [sflag:$0x3], $0x80, v3, vm0, $0xb8;
	[tilespmem:$0x10100] =	vst v63  }
0x9b: {  	_ = 	snop  }
0x9c: {  	[hbm4b:s5+s2] =	stream.indirect_vreg.scatter [tilespmem:s13], [sflag:$0x3], $0x80, v3, vm0, $0xb8;
	[tilespmem:$0x10100] =	vst v63  }
0x9d: {  	_ = 	snop  }
0x9e: {  	[hbm4b:s6+s2] =	stream.indirect_vreg.scatter [tilespmem:s14], [sflag:$0x3], $0x80, v3, vm0, $0xb8;
	[tilespmem:$0x10100] =	vst v63  }
0x9f: {  	v3 =	vld [tilespmem:$0xA0];
	_ =	sdelay $0x4  }
0xa0: {  	v62 =	vshll.u32 v3, $0x3  }
0xa1: {  	v3 =	vand.u32 $0x7, v3;
	v4 =	vand.u32 $0xFFFFFFC0, v62  }
0xa2: {  	v3 =	vor.u32 v3, v4  }
0xa3: {  	v4 =	vperm.xlane v3, v0;
	_ =	sdelay $0x1  }
0xa4: {  	v4 =	vadd.s32 v1, v4;
	_ =	sdelay $0x4  }
0xa5: {  	[hbm4b:s3+s2] =	stream.indirect_vreg.scatter [tilespmem:s15], [sflag:$0x3], $0x80, v4, vm0, $0xb8;
	[tilespmem:$0x10100] =	vst v63  }
0xa6: {  	v3 =	vperm.xlane v3, v2  }
0xa7: {  	[hbm4b:s4+s2] =	stream.indirect_vreg.scatter [tilespmem:s16], [sflag:$0x3], $0x80, v4, vm0, $0xb8;
	[tilespmem:$0x10100] =	vst v63  }
0xa8: {  	v3 =	vadd.s32 v1, v3  }
0xa9: {  	[hbm4b:s5+s2] =	stream.indirect_vreg.scatter [tilespmem:s17], [sflag:$0x3], $0x80, v4, vm0, $0xb8;
	[tilespmem:$0x10100] =	vst v63  }
0xaa: {  	_ = 	snop  }
0xab: {  	[hbm4b:s6+s2] =	stream.indirect_vreg.scatter [tilespmem:s18], [sflag:$0x3], $0x80, v4, vm0, $0xb8;
	[tilespmem:$0x10100] =	vst v63  }
0xac: {  	_ = 	snop  }
0xad: {  	[hbm4b:s3+s2] =	stream.indirect_vreg.scatter [tilespmem:s19], [sflag:$0x3], $0x80, v3, vm0, $0xb8;
	[tilespmem:$0x10100] =	vst v63  }
0xae: {  	_ = 	snop  }
0xaf: {  	[hbm4b:s4+s2] =	stream.indirect_vreg.scatter [tilespmem:s8], [sflag:$0x3], $0x80, v3, vm0, $0xb8;
	[tilespmem:$0x10100] =	vst v63  }
0xb0: {  	_ = 	snop  }
0xb1: {  	[hbm4b:s5+s2] =	stream.indirect_vreg.scatter [tilespmem:s20], [sflag:$0x3], $0x80, v3, vm0, $0xb8;
	[tilespmem:$0x10100] =	vst v63  }
0xb2: {  	_ = 	snop  }
0xb3: {  	[hbm4b:s6+s2] =	stream.indirect_vreg.scatter [tilespmem:s21], [sflag:$0x3], $0x80, v3, vm0, $0xb8;
	[tilespmem:$0x10100] =	vst v63  }
0xb4: {  	v3 =	vld [tilespmem:$0xB0];
	_ =	sdelay $0x4  }
0xb5: {  	v63 =	vshll.u32 v3, $0x3  }
0xb6: {  	v3 =	vand.u32 $0x7, v3;
	v4 =	vand.u32 $0xFFFFFFC0, v63  }
0xb7: {  	v3 =	vor.u32 v3, v4  }
0xb8: {  	v4 =	vperm.xlane v3, v0;
	_ =	sdelay $0x1  }
0xb9: {  	v4 =	vadd.s32 v1, v4;
	_ =	sdelay $0x4  }
0xba: {  	[hbm4b:s3+s2] =	stream.indirect_vreg.scatter [tilespmem:s9], [sflag:$0x3], $0x80, v4, vm0, $0xb8;
	[tilespmem:$0x10100] =	vst v63  }
0xbb: {  	s23 =	simm.s32 $0xC900;
	v3 =	vperm.xlane v3, v2  }
0xbc: {  	[hbm4b:s4+s2] =	stream.indirect_vreg.scatter [tilespmem:s23], [sflag:$0x3], $0x80, v4, vm0, $0xb8;
	[tilespmem:$0x10100] =	vst v63  }
0xbd: {  	s22 =	simm.s32 $0xD100;
	v3 =	vadd.s32 v1, v3  }
0xbe: {  	[hbm4b:s5+s2] =	stream.indirect_vreg.scatter [tilespmem:s22], [sflag:$0x3], $0x80, v4, vm0, $0xb8;
	[tilespmem:$0x10100] =	vst v63  }
0xbf: {  	s23 =	simm.s32 $0xD900  }
0xc0: {  	[hbm4b:s6+s2] =	stream.indirect_vreg.scatter [tilespmem:s23], [sflag:$0x3], $0x80, v4, vm0, $0xb8;
	[tilespmem:$0x10100] =	vst v63  }
0xc1: {  	s22 =	simm.s32 $0xE100  }
0xc2: {  	[hbm4b:s3+s2] =	stream.indirect_vreg.scatter [tilespmem:s22], [sflag:$0x3], $0x80, v3, vm0, $0xb8;
	[tilespmem:$0x10100] =	vst v63  }
0xc3: {  	s23 =	simm.s32 $0xE900  }
0xc4: {  	[hbm4b:s4+s2] =	stream.indirect_vreg.scatter [tilespmem:s23], [sflag:$0x3], $0x80, v3, vm0, $0xb8;
	[tilespmem:$0x10100] =	vst v63  }
0xc5: {  	s22 =	simm.s32 $0xF100  }
0xc6: {  	[hbm4b:s5+s2] =	stream.indirect_vreg.scatter [tilespmem:s22], [sflag:$0x3], $0x80, v3, vm0, $0xb8;
	[tilespmem:$0x10100] =	vst v63  }
0xc7: {  	s23 =	simm.s32 $0xF900;
	s22 =	simm.s32 $0x2  }
0xc8: {  	[hbm4b:s6+s2] =	stream.indirect_vreg.scatter [tilespmem:s23], [sflag:$0x3], $0x80, v3, vm0, $0xb8;
	[tilespmem:$0x10100] =	vst v63  }
0xc9: {  	p0 =	sne.s32 s7, $0x1;
	_ =	swait.ge [sflag:s22], $0x10000  }
.Ltmp0:
0xca: {  	[sflag:s22] =	ssyncset.done $0x0;
	(pc) =	sbr.rel @p0 .LBB2_1-.Ltmp0, $4  }
0xcb: {  	s23 =	simm.s32 $0x3;
	[sflag:s22] =	ssyncadd.s32 $0xFFFF0000  }
0xcc: {  	_ =	swait.ge [sflag:s23], $0x10000  }
0xcd: {  	[sflag:s23] =	ssyncset.done $0x0  }
0xce: {  	s7 =	sadd.s32 $0xFFFFFFFF, s7;
	[sflag:s23] =	ssyncadd.s32 $0xFFFF0000  }
0xcf: {  	_ =	sfence.sel $0x180000  }
0xd0: {  	[bflag:$0x0] =	sbarrier.arrive $0xFFFF  }
0xd1: {  	_ =	strace $0x90000047  }
0xd2: {  	s0 =	stileid.u32;
	[bflag:$0x2] =	sbarrier.arrive $0xFFFF  }
0xd3: {  	p0 =	sne.s32 s0, $0x0;
	s0 =	rddreg [dreg:$0x2]  }
0xd4: {  	s0 =	sadd.s32 @!p0 $0x100000, s0  }
0xd5: {  	[sflag:s0] =	ssyncadd.tile.s32 @!p0 $0x1;
	_ =	shalt  }
.Lfunc_end2:
_tile_overlayer_lowered:
.L_overlay_start_2:
0xd6: {  	(tag) =	ssettag $0x2  }
0xd7: {  	s0 =	rddreg [dreg:$0x0];
	s2 =	stileid.u32  }
0xd8: {  	s1 =	rddreg [dreg:$0x1];
	p0 =	sne.s32 s2, $0x0  }
0xd9: {  	s3 =	rddreg [dreg:$0x2];
	[bflag:$0x3] =	sbarrier.arrive $0xFFFF;
	s2 =	simm.s32 @!p0 $0x1C04  }
0xda: {  	[timem:s3], [sflag:s2] =	dma.local @!p0 [hbm:s0], s1  }
0xdb: {  	s0 =	simm.s32 @!p0 $0x4  }
0xdc: {  	_ =	swait.ge @!p0 [sflag:s0], s1  }
0xdd: {  	s1 =	ssub.s32 @!p0 $0x0, s1;
	[sflag:s0] =	ssyncset.done @!p0 $0x0  }
0xde: {  	[sflag:s0] =	ssyncadd.s32 @!p0 s1  }
0xdf: {  	[bflag:$0x3] =	sbarrier.arrive $0xFFFF  }
0xe0: {  	_ =	shalt  }

</sc_bundles>
